<compile_context>
chip_gen: v7x
topology: tpu7x:2x2x1
jax: 0.10.2.dev20260603
libtpu: 0.0.44.dev20260713+nightly
codegen_flags: <defaults>
</compile_context>

<pallas_src>
import functools

import jax
import jax.numpy as jnp
from jax import lax
from jax.experimental import pallas as pl
from jax.experimental.pallas import tpu as pltpu
from jax.experimental.pallas import tpu_sc as plsc

N_NODES = 10000
NP = 10112
N_EDGES = 320000
NW = 32
CHUNK = 128
NCHUNK = 80
EPW = CHUNK * NCHUNK
EP = NW * EPW
H = 64
STRIPE = NP // 16
DUMMY_ROW = N_NODES
DUMMY_COL = N_NODES + 8

_MESH = plsc.VectorSubcoreMesh(core_axis_name="c", subcore_axis_name="s")
_SC_PARAMS = pltpu.CompilerParams(use_tc_tiling_on_sc=False)




def _hist_body(cidx_hbm, init_hbm, ones_hbm, hist_out,
               cidx_v, ones_v, acc, sem):
    c = lax.axis_index("c")
    s = lax.axis_index("s")
    wid = c * 16 + s
    pltpu.sync_copy(init_hbm.at[pl.ds(s * STRIPE, STRIPE)],
                    acc.at[pl.ds(s * STRIPE, STRIPE)])
    pltpu.sync_copy(ones_hbm, ones_v)
    pltpu.sync_copy(cidx_hbm.at[wid], cidx_v)
    plsc.subcore_barrier()

    def step(j, _):
        pltpu.sync_copy(ones_v, acc.at[cidx_v.at[j]], add=True)
        return ()

    lax.fori_loop(0, NCHUNK, step, ())
    plsc.subcore_barrier()
    pltpu.sync_copy(acc.at[pl.ds(s * STRIPE, STRIPE)],
                    hist_out.at[c, pl.ds(s * STRIPE, STRIPE)])


def _sc_hist(cidx, init16, ones16):
    k = pl.kernel(
        _hist_body,
        out_type=jax.ShapeDtypeStruct((2, NP, 16), jnp.float32),
        mesh=_MESH,
        compiler_params=_SC_PARAMS,
        scratch_types=[
            pltpu.VMEM((NCHUNK, CHUNK), jnp.int32),
            pltpu.VMEM((CHUNK, 16), jnp.float32),
            pltpu.VMEM_SHARED((NP, 16), jnp.float32),
            pltpu.SemaphoreType.DMA,
        ],
    )
    return k(cidx, init16, ones16)


def _scatter_body(y_hbm, ridx_hbm, cidx_hbm, init_hbm, s_out,
                  ridx_v, cidx_v, rows_v, acc, sem):
    c = lax.axis_index("c")
    s = lax.axis_index("s")
    wid = c * 16 + s
    pltpu.sync_copy(init_hbm.at[pl.ds(s * STRIPE, STRIPE)],
                    acc.at[pl.ds(s * STRIPE, STRIPE)])
    pltpu.sync_copy(ridx_hbm.at[wid], ridx_v)
    pltpu.sync_copy(cidx_hbm.at[wid], cidx_v)
    plsc.subcore_barrier()

    def step(j, _):
        pltpu.async_copy(y_hbm.at[ridx_v.at[j]], rows_v, sem).wait()
        pltpu.sync_copy(rows_v, acc.at[cidx_v.at[j]], add=True)
        return ()

    lax.fori_loop(0, NCHUNK, step, ())
    plsc.subcore_barrier()
    pltpu.sync_copy(acc.at[pl.ds(s * STRIPE, STRIPE)],
                    s_out.at[c, pl.ds(s * STRIPE, STRIPE)])


def _sc_scatter(y, ridx, cidx, init64):
    k = pl.kernel(
        _scatter_body,
        out_type=jax.ShapeDtypeStruct((2, NP, H), jnp.float32),
        mesh=_MESH,
        compiler_params=_SC_PARAMS,
        scratch_types=[
            pltpu.VMEM((NCHUNK, CHUNK), jnp.int32),
            pltpu.VMEM((NCHUNK, CHUNK), jnp.int32),
            pltpu.VMEM((CHUNK, H), jnp.float32),
            pltpu.VMEM_SHARED((NP, H), jnp.float32),
            pltpu.SemaphoreType.DMA,
        ],
    )
    return k(y, ridx, cidx, init64)


def _edge_body(a_hbm, b_hbm, ridx_hbm, cidx_hbm, s_out,
               ridx_v, cidx_v, ra_v, rb_v, sem_a, sem_b):
    c = lax.axis_index("c")
    s = lax.axis_index("s")
    wid = c * 16 + s
    pltpu.sync_copy(ridx_hbm.at[wid], ridx_v)
    pltpu.sync_copy(cidx_hbm.at[wid], cidx_v)

    def step(j, _):
        da = pltpu.async_copy(a_hbm.at[ridx_v.at[j]], ra_v, sem_a)
        db = pltpu.async_copy(b_hbm.at[cidx_v.at[j]], rb_v, sem_b)
        da.wait()
        db.wait()

        def add_row(r, _):
            for q in range(H // 16):
                sl = pl.ds(q * 16, 16)
                ra_v[r, sl] = ra_v[r, sl] + rb_v[r, sl]
            return ()

        lax.fori_loop(0, CHUNK, add_row, ())
        pltpu.sync_copy(ra_v, s_out.at[pl.ds(wid * EPW + j * CHUNK, CHUNK)])
        return ()

    lax.fori_loop(0, NCHUNK, step, ())


def _sc_edge(a, b, ridx, cidx):
    k = pl.kernel(
        _edge_body,
        out_type=jax.ShapeDtypeStruct((EP, H), jnp.float32),
        mesh=_MESH,
        compiler_params=_SC_PARAMS,
        scratch_types=[
            pltpu.VMEM((NCHUNK, CHUNK), jnp.int32),
            pltpu.VMEM((NCHUNK, CHUNK), jnp.int32),
            pltpu.VMEM((CHUNK, H), jnp.float32),
            pltpu.VMEM((CHUNK, H), jnp.float32),
            pltpu.SemaphoreType.DMA,
            pltpu.SemaphoreType.DMA,
        ],
    )
    return k(a, b, ridx, cidx)




def _t1_body(x_ref, w1_ref, ha_ref, hb_ref, y_ref):
    deg = ha_ref[:, 0:1] + hb_ref[:, 0:1] + 1.0
    dinv = lax.rsqrt(deg)
    xw = jnp.dot(x_ref[...], w1_ref[...], preferred_element_type=jnp.float32)
    y_ref[...] = dinv * xw


def _t2_body(sa_ref, sb_ref, y_ref, ha_ref, hb_ref, w2_ref, b1_ref, y2_ref):
    deg = ha_ref[:, 0:1] + hb_ref[:, 0:1] + 1.0
    dinv = lax.rsqrt(deg)
    h1 = jnp.maximum(
        dinv * (sa_ref[...] + sb_ref[...] + y_ref[...]) + b1_ref[...], 0.0)
    y2_ref[...] = dinv * jnp.dot(h1, w2_ref[...],
                                 preferred_element_type=jnp.float32)


def _t3_body(sa_ref, sb_ref, y_ref, ha_ref, hb_ref, b2_ref,
             lw1a_ref, lw1b_ref, lb1_ref, a_ref, b_ref):
    deg = ha_ref[:, 0:1] + hb_ref[:, 0:1] + 1.0
    dinv = lax.rsqrt(deg)
    h2 = jnp.maximum(
        dinv * (sa_ref[...] + sb_ref[...] + y_ref[...]) + b2_ref[...], 0.0)
    a_ref[...] = jnp.dot(h2, lw1a_ref[...],
                         preferred_element_type=jnp.float32) + lb1_ref[...]
    b_ref[...] = jnp.dot(h2, lw1b_ref[...],
                         preferred_element_type=jnp.float32)


def _t4_body(s_ref, ea_ref, c_ref, lw2_ref, lb2_ref, o_ref):
    z = jnp.maximum(s_ref[...] + ea_ref[...] * c_ref[...], 0.0)
    o_ref[...] = jnp.sum(z * lw2_ref[...], axis=1) + lb2_ref[0, 0]


_EB = 8192


def _tc_final(s_edges, ea, c_row, lw2_row, lb2):
    return pl.pallas_call(
        _t4_body,
        grid=(EP // _EB,),
        in_specs=[
            pl.BlockSpec((_EB, H), lambda i: (i, 0)),
            pl.BlockSpec((_EB, 1), lambda i: (i, 0)),
            pl.BlockSpec((1, H), lambda i: (0, 0)),
            pl.BlockSpec((1, H), lambda i: (0, 0)),
            pl.BlockSpec((1, 1), lambda i: (0, 0)),
        ],
        out_specs=pl.BlockSpec((_EB,), lambda i: (i,)),
        out_shape=jax.ShapeDtypeStruct((EP,), jnp.float32),
    )(s_edges, ea, c_row, lw2_row, lb2)




@jax.jit
def kernel(x, edge_index, edge_attr, W1, b1, W2, b2, LW1, Lb1, LW2, Lb2):
    ei = edge_index.astype(jnp.int32)
    row = jnp.concatenate(
        [ei[0], jnp.full((EP - N_EDGES,), DUMMY_ROW, jnp.int32)])
    col = jnp.concatenate(
        [ei[1], jnp.full((EP - N_EDGES,), DUMMY_COL, jnp.int32)])
    ridx = row.reshape(NW, NCHUNK, CHUNK)
    cidx = col.reshape(NW, NCHUNK, CHUNK)

    xp = jnp.zeros((NP, x.shape[1]), jnp.float32).at[:N_NODES].set(x)
    init16 = jnp.zeros((NP, 16), jnp.float32)
    init64 = jnp.zeros((NP, H), jnp.float32)
    ones16 = jnp.zeros((CHUNK, 16), jnp.float32).at[:, 0].set(1.0)

    hist = _sc_hist(cidx, init16, ones16)
    ha, hb = hist[0], hist[1]

    y1 = pl.pallas_call(
        _t1_body,
        out_shape=jax.ShapeDtypeStruct((NP, H), jnp.float32),
    )(xp, W1, ha, hb)

    s1 = _sc_scatter(y1, ridx, cidx, init64)

    y2 = pl.pallas_call(
        _t2_body,
        out_shape=jax.ShapeDtypeStruct((NP, H), jnp.float32),
    )(s1[0], s1[1], y1, ha, hb, W2, b1.reshape(1, H))

    s2 = _sc_scatter(y2, ridx, cidx, init64)

    a_nodes, b_nodes = pl.pallas_call(
        _t3_body,
        out_shape=[
            jax.ShapeDtypeStruct((NP, H), jnp.float32),
            jax.ShapeDtypeStruct((NP, H), jnp.float32),
        ],
    )(s2[0], s2[1], y2, ha, hb, b2.reshape(1, H),
      LW1[:H], LW1[H:2 * H], Lb1.reshape(1, H))

    s_edges = _sc_edge(a_nodes, b_nodes, ridx, cidx)

    ea = jnp.zeros((EP, 1), jnp.float32).at[:N_EDGES].set(edge_attr)
    out = _tc_final(s_edges, ea, LW1[2 * H:2 * H + 1],
                    LW2.reshape(1, H), Lb2.reshape(1, 1))
    return out[:N_EDGES]

# --- scband reference (transcript-rebuilt; emitter-appended) ---
"""Pipeline reference for scband-bond-break-gnn-17695265259649 (READ-ONLY COPY).

The authoritative reference and input builder live on the scoring server;
editing this copy changes nothing except your own understanding.
"""

import jax, jax.numpy as jnp
import numpy as np

N_NODES = 10000
N_EDGES = 320000
D_FEAT = 128
HIDDEN = 64


def gcn_conv(x, edge_index, W, b):
    # Faithful PyG GCNConv: add self-loops, symmetric normalization, x @ W, scatter-add, + bias
    N = x.shape[0]
    row = edge_index[0]
    col = edge_index[1]
    loop = jnp.arange(N, dtype=edge_index.dtype)
    row = jnp.concatenate([row, loop])
    col = jnp.concatenate([col, loop])
    ew = jnp.ones(row.shape[0], dtype=x.dtype)
    deg = jax.ops.segment_sum(ew, col, num_segments=N)
    deg_inv_sqrt = jnp.where(deg > 0, 1.0 / jnp.sqrt(deg), 0.0)
    norm = deg_inv_sqrt[row] * deg_inv_sqrt[col]
    xw = x @ W
    msg = xw[row] * norm[:, None]
    out = jax.ops.segment_sum(msg, col, num_segments=N)
    return out + b


def setup_inputs(seed: int = 0) -> dict:
    key = jax.random.key(seed)
    ks = jax.random.split(key, 12)
    x = jax.random.normal(ks[0], (N_NODES, D_FEAT), dtype=jnp.float32)
    edge_index = jax.random.randint(ks[1], (2, N_EDGES), 0, N_NODES, dtype=jnp.int64)
    edge_attr = jax.random.normal(ks[2], (N_EDGES, 1), dtype=jnp.float32)
    # GCNConv1: in=128 -> out=64
    W1 = jax.random.normal(ks[3], (D_FEAT, HIDDEN), dtype=jnp.float32) / np.sqrt(D_FEAT)
    b1 = jnp.zeros((HIDDEN,), dtype=jnp.float32)
    # GCNConv2: in=64 -> out=64
    W2 = jax.random.normal(ks[4], (HIDDEN, HIDDEN), dtype=jnp.float32) / np.sqrt(HIDDEN)
    b2 = jnp.zeros((HIDDEN,), dtype=jnp.float32)
    # lin: Linear(2*64+1 -> 64), ReLU, Linear(64 -> 1)
    LW1 = jax.random.normal(ks[5], (2 * HIDDEN + 1, 64), dtype=jnp.float32) / np.sqrt(2 * HIDDEN + 1)
    Lb1 = jnp.zeros((64,), dtype=jnp.float32)
    LW2 = jax.random.normal(ks[6], (64, 1), dtype=jnp.float32) / np.sqrt(64)
    Lb2 = jnp.zeros((1,), dtype=jnp.float32)
    return {"x": x, "edge_index": edge_index, "edge_attr": edge_attr,
            "W1": W1, "b1": b1, "W2": W2, "b2": b2,
            "LW1": LW1, "Lb1": Lb1, "LW2": LW2, "Lb2": Lb2}


def reference(x, edge_index, edge_attr, W1, b1, W2, b2, LW1, Lb1, LW2, Lb2):
    h = jax.nn.relu(gcn_conv(x, edge_index, W1, b1))
    h = jax.nn.relu(gcn_conv(h, edge_index, W2, b2))
    row = edge_index[0]
    col = edge_index[1]
    edge_inputs = jnp.concatenate([h[row], h[col], edge_attr], axis=1)
    z = jax.nn.relu(edge_inputs @ LW1 + Lb1)
    out = z @ LW2 + Lb2
    return out.squeeze(-1)

if __name__ == "__main__":
    import jax
    _d = setup_inputs()
    print(jax.jit(kernel)(*tuple(_d.values())))

</pallas_src>

<mosaic_0001>
#map = affine_map<(d0, d1) -> (0, 0)>
#map1 = affine_map<(d0, d1) -> (0, 0, 0)>
module attributes {stable_mosaic.version = 14 : i64} {
  func.func @_edge_body(%arg0: i32, %arg1: i32, %arg2: memref<10112x64xf32, #tpu.memory_space<hbm>>, %arg3: memref<10112x64xf32, #tpu.memory_space<hbm>>, %arg4: memref<32x80x128xi32, #tpu.memory_space<hbm>>, %arg5: memref<32x80x128xi32, #tpu.memory_space<hbm>>, %arg6: memref<327680x64xf32, #tpu.memory_space<hbm>>, %arg7: memref<80x128xi32, #tpu.memory_space<vmem>>, %arg8: memref<80x128xi32, #tpu.memory_space<vmem>>, %arg9: memref<128x64xf32, #tpu.memory_space<vmem>>, %arg10: memref<128x64xf32, #tpu.memory_space<vmem>>, %arg11: memref<!tpu.dma_semaphore, #tpu.memory_space<semaphore_mem>>, %arg12: memref<!tpu.dma_semaphore, #tpu.memory_space<semaphore_mem>>) attributes {dimension_semantics = [#tpu.dimension_semantics<core_parallel>, #tpu.dimension_semantics<subcore_parallel>], iteration_bounds = array<i64: 2, 16>, scalar_prefetch = 0 : i64, scratch_operands = 6 : i64, tpu.core_type = #tpu.core_type<sc_vector_subcore>, window_params = [{transform_indices = #map}, {transform_indices = #map}, {transform_indices = #map1}, {transform_indices = #map1}, {transform_indices = #map}]} {
    %mul3A = arith.constant 16 : i32
    %mul3A_0 = arith.muli %arg0, %mul3A : i32
    %add3A = arith.addi %mul3A_0, %arg1 : i32
    "tpu.region"() ({
      %run_scoped3A = tpu.sem_alloc : memref<!tpu.dma_semaphore, #tpu.memory_space<semaphore_mem>>
      %dma_start3A = arith.constant 0 : i32
      %dma_start3A_5 = arith.constant 0 : i32
      %dma_start3A_6 = tpu.memref_slice %arg4[%add3A, %dma_start3A, %dma_start3A_5] : memref<32x80x128xi32, #tpu.memory_space<hbm>> -> memref<1x80x128xi32, #tpu.memory_space<hbm>>
      %dma_start3A_7 = tpu.memref_squeeze %dma_start3A_6 : memref<1x80x128xi32, #tpu.memory_space<hbm>> -> memref<80x128xi32, #tpu.memory_space<hbm>>
      %dma_start3A_8 = arith.constant 0 : i32
      %dma_start3A_9 = arith.constant 0 : i32
      %dma_start3A_10 = tpu.memref_slice %arg4[%add3A, %dma_start3A_8, %dma_start3A_9] : memref<32x80x128xi32, #tpu.memory_space<hbm>> -> memref<1x80x128xi32, #tpu.memory_space<hbm>>
      %dma_start3A_11 = tpu.memref_squeeze %dma_start3A_10 : memref<1x80x128xi32, #tpu.memory_space<hbm>> -> memref<80x128xi32, #tpu.memory_space<hbm>>
      tpu.enqueue_dma source(%dma_start3A_11 : memref<80x128xi32, #tpu.memory_space<hbm>>) target(%arg7 : memref<80x128xi32, #tpu.memory_space<vmem>>) target_semaphore(%run_scoped3A : memref<!tpu.dma_semaphore, #tpu.memory_space<semaphore_mem>>)
      %dma_wait3A = arith.constant 0 : i32
      %dma_wait3A_12 = arith.constant 0 : i32
      %dma_wait3A_13 = tpu.memref_slice %arg4[%add3A, %dma_wait3A, %dma_wait3A_12] : memref<32x80x128xi32, #tpu.memory_space<hbm>> -> memref<1x80x128xi32, #tpu.memory_space<hbm>>
      %dma_wait3A_14 = tpu.memref_squeeze %dma_wait3A_13 : memref<1x80x128xi32, #tpu.memory_space<hbm>> -> memref<80x128xi32, #tpu.memory_space<hbm>>
      %dma_wait3A_15 = arith.constant 0 : i32
      %dma_wait3A_16 = arith.constant 0 : i32
      %dma_wait3A_17 = tpu.memref_slice %arg4[%add3A, %dma_wait3A_15, %dma_wait3A_16] : memref<32x80x128xi32, #tpu.memory_space<hbm>> -> memref<1x80x128xi32, #tpu.memory_space<hbm>>
      %dma_wait3A_18 = tpu.memref_squeeze %dma_wait3A_17 : memref<1x80x128xi32, #tpu.memory_space<hbm>> -> memref<80x128xi32, #tpu.memory_space<hbm>>
      tpu.wait_dma2 semaphore(%run_scoped3A : memref<!tpu.dma_semaphore, #tpu.memory_space<semaphore_mem>>) src(%dma_wait3A_18 : memref<80x128xi32, #tpu.memory_space<hbm>>) dst(%arg7 : memref<80x128xi32, #tpu.memory_space<vmem>>)
      tpu.yield
    }) : () -> ()
    "tpu.region"() ({
      %run_scoped3A = tpu.sem_alloc : memref<!tpu.dma_semaphore, #tpu.memory_space<semaphore_mem>>
      %dma_start3A = arith.constant 0 : i32
      %dma_start3A_5 = arith.constant 0 : i32
      %dma_start3A_6 = tpu.memref_slice %arg5[%add3A, %dma_start3A, %dma_start3A_5] : memref<32x80x128xi32, #tpu.memory_space<hbm>> -> memref<1x80x128xi32, #tpu.memory_space<hbm>>
      %dma_start3A_7 = tpu.memref_squeeze %dma_start3A_6 : memref<1x80x128xi32, #tpu.memory_space<hbm>> -> memref<80x128xi32, #tpu.memory_space<hbm>>
      %dma_start3A_8 = arith.constant 0 : i32
      %dma_start3A_9 = arith.constant 0 : i32
      %dma_start3A_10 = tpu.memref_slice %arg5[%add3A, %dma_start3A_8, %dma_start3A_9] : memref<32x80x128xi32, #tpu.memory_space<hbm>> -> memref<1x80x128xi32, #tpu.memory_space<hbm>>
      %dma_start3A_11 = tpu.memref_squeeze %dma_start3A_10 : memref<1x80x128xi32, #tpu.memory_space<hbm>> -> memref<80x128xi32, #tpu.memory_space<hbm>>
      tpu.enqueue_dma source(%dma_start3A_11 : memref<80x128xi32, #tpu.memory_space<hbm>>) target(%arg8 : memref<80x128xi32, #tpu.memory_space<vmem>>) target_semaphore(%run_scoped3A : memref<!tpu.dma_semaphore, #tpu.memory_space<semaphore_mem>>)
      %dma_wait3A = arith.constant 0 : i32
      %dma_wait3A_12 = arith.constant 0 : i32
      %dma_wait3A_13 = tpu.memref_slice %arg5[%add3A, %dma_wait3A, %dma_wait3A_12] : memref<32x80x128xi32, #tpu.memory_space<hbm>> -> memref<1x80x128xi32, #tpu.memory_space<hbm>>
      %dma_wait3A_14 = tpu.memref_squeeze %dma_wait3A_13 : memref<1x80x128xi32, #tpu.memory_space<hbm>> -> memref<80x128xi32, #tpu.memory_space<hbm>>
      %dma_wait3A_15 = arith.constant 0 : i32
      %dma_wait3A_16 = arith.constant 0 : i32
      %dma_wait3A_17 = tpu.memref_slice %arg5[%add3A, %dma_wait3A_15, %dma_wait3A_16] : memref<32x80x128xi32, #tpu.memory_space<hbm>> -> memref<1x80x128xi32, #tpu.memory_space<hbm>>
      %dma_wait3A_18 = tpu.memref_squeeze %dma_wait3A_17 : memref<1x80x128xi32, #tpu.memory_space<hbm>> -> memref<80x128xi32, #tpu.memory_space<hbm>>
      tpu.wait_dma2 semaphore(%run_scoped3A : memref<!tpu.dma_semaphore, #tpu.memory_space<semaphore_mem>>) src(%dma_wait3A_18 : memref<80x128xi32, #tpu.memory_space<hbm>>) dst(%arg8 : memref<80x128xi32, #tpu.memory_space<vmem>>)
      tpu.yield
    }) : () -> ()
    %scan3A = arith.constant 0 : i32
    %scan3A_1 = arith.constant 80 : i32
    %scan3A_2 = arith.addi %scan3A, %scan3A_1 : i32
    %scan3A_3 = arith.constant 1 : i32
    scf.for %scan3A_5 = %scan3A to %scan3A_2 step %scan3A_3  : i32 {
      %dma_start3A = arith.constant 0 : i32
      %dma_start3A_6 = tpu.memref_slice %arg7[%scan3A_5, %dma_start3A] : memref<80x128xi32, #tpu.memory_space<vmem>> -> memref<1x128xi32, #tpu.memory_space<vmem>>
      %dma_start3A_7 = tpu.memref_squeeze %dma_start3A_6 : memref<1x128xi32, #tpu.memory_space<vmem>> -> memref<128xi32, #tpu.memory_space<vmem>>
      %dma_start3A_8 = arith.constant 0 : i32
      %dma_start3A_9 = arith.constant 0 : i32
      %dma_start3A_10 = tpu.memref_slice %arg2[%dma_start3A_8, %dma_start3A_9] : memref<10112x64xf32, #tpu.memory_space<hbm>> -> memref<10112x64xf32, #tpu.memory_space<hbm>>
      tpu.enqueue_indirect_dma source(%dma_start3A_10 : memref<10112x64xf32, #tpu.memory_space<hbm>>) target(%arg9 : memref<128x64xf32, #tpu.memory_space<vmem>>) offsets(%dma_start3A_7 : memref<128xi32, #tpu.memory_space<vmem>>) semaphore(%arg11 : memref<!tpu.dma_semaphore, #tpu.memory_space<semaphore_mem>>)
      %dma_start3A_11 = arith.constant 0 : i32
      %dma_start3A_12 = tpu.memref_slice %arg8[%scan3A_5, %dma_start3A_11] : memref<80x128xi32, #tpu.memory_space<vmem>> -> memref<1x128xi32, #tpu.memory_space<vmem>>
      %dma_start3A_13 = tpu.memref_squeeze %dma_start3A_12 : memref<1x128xi32, #tpu.memory_space<vmem>> -> memref<128xi32, #tpu.memory_space<vmem>>
      %dma_start3A_14 = arith.constant 0 : i32
      %dma_start3A_15 = arith.constant 0 : i32
      %dma_start3A_16 = tpu.memref_slice %arg3[%dma_start3A_14, %dma_start3A_15] : memref<10112x64xf32, #tpu.memory_space<hbm>> -> memref<10112x64xf32, #tpu.memory_space<hbm>>
      tpu.enqueue_indirect_dma source(%dma_start3A_16 : memref<10112x64xf32, #tpu.memory_space<hbm>>) target(%arg10 : memref<128x64xf32, #tpu.memory_space<vmem>>) offsets(%dma_start3A_13 : memref<128xi32, #tpu.memory_space<vmem>>) semaphore(%arg12 : memref<!tpu.dma_semaphore, #tpu.memory_space<semaphore_mem>>)
      %dma_wait3A = arith.constant 0 : i32
      %dma_wait3A_17 = tpu.memref_slice %arg7[%scan3A_5, %dma_wait3A] : memref<80x128xi32, #tpu.memory_space<vmem>> -> memref<1x128xi32, #tpu.memory_space<vmem>>
      %dma_wait3A_18 = tpu.memref_squeeze %dma_wait3A_17 : memref<1x128xi32, #tpu.memory_space<vmem>> -> memref<128xi32, #tpu.memory_space<vmem>>
      %dma_wait3A_19 = arith.constant 0 : i32
      %dma_wait3A_20 = arith.constant 0 : i32
      %dma_wait3A_21 = tpu.memref_slice %arg2[%dma_wait3A_19, %dma_wait3A_20] : memref<10112x64xf32, #tpu.memory_space<hbm>> -> memref<10112x64xf32, #tpu.memory_space<hbm>>
      tpu.wait_indirect_dma semaphore(%arg11 : memref<!tpu.dma_semaphore, #tpu.memory_space<semaphore_mem>>) src(%dma_wait3A_21 : memref<10112x64xf32, #tpu.memory_space<hbm>>) dst(%arg9 : memref<128x64xf32, #tpu.memory_space<vmem>>)
      %dma_wait3A_22 = arith.constant 0 : i32
      %dma_wait3A_23 = tpu.memref_slice %arg8[%scan3A_5, %dma_wait3A_22] : memref<80x128xi32, #tpu.memory_space<vmem>> -> memref<1x128xi32, #tpu.memory_space<vmem>>
      %dma_wait3A_24 = tpu.memref_squeeze %dma_wait3A_23 : memref<1x128xi32, #tpu.memory_space<vmem>> -> memref<128xi32, #tpu.memory_space<vmem>>
      %dma_wait3A_25 = arith.constant 0 : i32
      %dma_wait3A_26 = arith.constant 0 : i32
      %dma_wait3A_27 = tpu.memref_slice %arg3[%dma_wait3A_25, %dma_wait3A_26] : memref<10112x64xf32, #tpu.memory_space<hbm>> -> memref<10112x64xf32, #tpu.memory_space<hbm>>
      tpu.wait_indirect_dma semaphore(%arg12 : memref<!tpu.dma_semaphore, #tpu.memory_space<semaphore_mem>>) src(%dma_wait3A_27 : memref<10112x64xf32, #tpu.memory_space<hbm>>) dst(%arg10 : memref<128x64xf32, #tpu.memory_space<vmem>>)
      %scan3A_28 = arith.constant 0 : i32
      %scan3A_29 = arith.constant 128 : i32
      %scan3A_30 = arith.addi %scan3A_28, %scan3A_29 : i32
      %scan3A_31 = arith.constant 1 : i32
      scf.for %scan3A_38 = %scan3A_28 to %scan3A_30 step %scan3A_31  : i32 {
        %get3A = arith.index_cast %scan3A_38 : i32 to index
        %get3A_39 = arith.constant 0 : index
        %get3A_40 = tpu.vector_load %arg9[%get3A, %get3A_39] {strides = array<i32>} : memref<128x64xf32, #tpu.memory_space<vmem>>, vector<1x16xf32>,
        %get3A_41 = vector.shape_cast %get3A_40 : vector<1x16xf32> to vector<16xf32>
        %get3A_42 = arith.index_cast %scan3A_38 : i32 to index
        %get3A_43 = arith.constant 0 : index
        %get3A_44 = tpu.vector_load %arg10[%get3A_42, %get3A_43] {strides = array<i32>} : memref<128x64xf32, #tpu.memory_space<vmem>>, vector<1x16xf32>,
        %get3A_45 = vector.shape_cast %get3A_44 : vector<1x16xf32> to vector<16xf32>
        %add3A_46 = arith.addf %get3A_41, %get3A_45 : vector<16xf32>
        %swap3A = arith.index_cast %scan3A_38 : i32 to index
        %swap3A_47 = arith.constant 0 : index
        %swap3A_48 = tpu.vector_load %arg9[%swap3A, %swap3A_47] {strides = array<i32>} : memref<128x64xf32, #tpu.memory_space<vmem>>, vector<1x16xf32>,
        %swap3A_49 = vector.shape_cast %swap3A_48 : vector<1x16xf32> to vector<16xf32>
        %swap3A_50 = vector.shape_cast %add3A_46 : vector<16xf32> to vector<1x16xf32>
        tpu.vector_store %arg9[%swap3A, %swap3A_47], %swap3A_50 {strides = array<i32>} : memref<128x64xf32, #tpu.memory_space<vmem>>, vector<1x16xf32>,
        %get3A_51 = arith.index_cast %scan3A_38 : i32 to index
        %get3A_52 = arith.constant 16 : index
        %get3A_53 = tpu.vector_load %arg9[%get3A_51, %get3A_52] {strides = array<i32>} : memref<128x64xf32, #tpu.memory_space<vmem>>, vector<1x16xf32>,
        %get3A_54 = vector.shape_cast %get3A_53 : vector<1x16xf32> to vector<16xf32>
        %get3A_55 = arith.index_cast %scan3A_38 : i32 to index
        %get3A_56 = arith.constant 16 : index
        %get3A_57 = tpu.vector_load %arg10[%get3A_55, %get3A_56] {strides = array<i32>} : memref<128x64xf32, #tpu.memory_space<vmem>>, vector<1x16xf32>,
        %get3A_58 = vector.shape_cast %get3A_57 : vector<1x16xf32> to vector<16xf32>
        %add3A_59 = arith.addf %get3A_54, %get3A_58 : vector<16xf32>
        %swap3A_60 = arith.index_cast %scan3A_38 : i32 to index
        %swap3A_61 = arith.constant 16 : index
        %swap3A_62 = tpu.vector_load %arg9[%swap3A_60, %swap3A_61] {strides = array<i32>} : memref<128x64xf32, #tpu.memory_space<vmem>>, vector<1x16xf32>,
        %swap3A_63 = vector.shape_cast %swap3A_62 : vector<1x16xf32> to vector<16xf32>
        %swap3A_64 = vector.shape_cast %add3A_59 : vector<16xf32> to vector<1x16xf32>
        tpu.vector_store %arg9[%swap3A_60, %swap3A_61], %swap3A_64 {strides = array<i32>} : memref<128x64xf32, #tpu.memory_space<vmem>>, vector<1x16xf32>,
        %get3A_65 = arith.index_cast %scan3A_38 : i32 to index
        %get3A_66 = arith.constant 32 : index
        %get3A_67 = tpu.vector_load %arg9[%get3A_65, %get3A_66] {strides = array<i32>} : memref<128x64xf32, #tpu.memory_space<vmem>>, vector<1x16xf32>,
        %get3A_68 = vector.shape_cast %get3A_67 : vector<1x16xf32> to vector<16xf32>
        %get3A_69 = arith.index_cast %scan3A_38 : i32 to index
        %get3A_70 = arith.constant 32 : index
        %get3A_71 = tpu.vector_load %arg10[%get3A_69, %get3A_70] {strides = array<i32>} : memref<128x64xf32, #tpu.memory_space<vmem>>, vector<1x16xf32>,
        %get3A_72 = vector.shape_cast %get3A_71 : vector<1x16xf32> to vector<16xf32>
        %add3A_73 = arith.addf %get3A_68, %get3A_72 : vector<16xf32>
        %swap3A_74 = arith.index_cast %scan3A_38 : i32 to index
        %swap3A_75 = arith.constant 32 : index
        %swap3A_76 = tpu.vector_load %arg9[%swap3A_74, %swap3A_75] {strides = array<i32>} : memref<128x64xf32, #tpu.memory_space<vmem>>, vector<1x16xf32>,
        %swap3A_77 = vector.shape_cast %swap3A_76 : vector<1x16xf32> to vector<16xf32>
        %swap3A_78 = vector.shape_cast %add3A_73 : vector<16xf32> to vector<1x16xf32>
        tpu.vector_store %arg9[%swap3A_74, %swap3A_75], %swap3A_78 {strides = array<i32>} : memref<128x64xf32, #tpu.memory_space<vmem>>, vector<1x16xf32>,
        %get3A_79 = arith.index_cast %scan3A_38 : i32 to index
        %get3A_80 = arith.constant 48 : index
        %get3A_81 = tpu.vector_load %arg9[%get3A_79, %get3A_80] {strides = array<i32>} : memref<128x64xf32, #tpu.memory_space<vmem>>, vector<1x16xf32>,
        %get3A_82 = vector.shape_cast %get3A_81 : vector<1x16xf32> to vector<16xf32>
        %get3A_83 = arith.index_cast %scan3A_38 : i32 to index
        %get3A_84 = arith.constant 48 : index
        %get3A_85 = tpu.vector_load %arg10[%get3A_83, %get3A_84] {strides = array<i32>} : memref<128x64xf32, #tpu.memory_space<vmem>>, vector<1x16xf32>,
        %get3A_86 = vector.shape_cast %get3A_85 : vector<1x16xf32> to vector<16xf32>
        %add3A_87 = arith.addf %get3A_82, %get3A_86 : vector<16xf32>
        %swap3A_88 = arith.index_cast %scan3A_38 : i32 to index
        %swap3A_89 = arith.constant 48 : index
        %swap3A_90 = tpu.vector_load %arg9[%swap3A_88, %swap3A_89] {strides = array<i32>} : memref<128x64xf32, #tpu.memory_space<vmem>>, vector<1x16xf32>,
        %swap3A_91 = vector.shape_cast %swap3A_90 : vector<1x16xf32> to vector<16xf32>
        %swap3A_92 = vector.shape_cast %add3A_87 : vector<16xf32> to vector<1x16xf32>
        tpu.vector_store %arg9[%swap3A_88, %swap3A_89], %swap3A_92 {strides = array<i32>} : memref<128x64xf32, #tpu.memory_space<vmem>>, vector<1x16xf32>,
      }
      %scan3A_32 = arith.constant 128 : i32
      %mul3A_33 = arith.constant 10240 : i32
      %mul3A_34 = arith.muli %add3A, %mul3A_33 : i32
      %mul3A_35 = arith.constant 128 : i32
      %mul3A_36 = arith.muli %scan3A_5, %mul3A_35 : i32
      %add3A_37 = arith.addi %mul3A_34, %mul3A_36 : i32
      "tpu.region"() ({
        %run_scoped3A = tpu.sem_alloc : memref<!tpu.dma_semaphore, #tpu.memory_space<semaphore_mem>>
        %dma_start3A_38 = arith.constant 0 : i32
        %dma_start3A_39 = tpu.memref_slice %arg6[%add3A_37, %dma_start3A_38] : memref<327680x64xf32, #tpu.memory_space<hbm>> -> memref<128x64xf32, #tpu.memory_space<hbm>>
        %dma_start3A_40 = arith.constant 0 : i32
        %dma_start3A_41 = tpu.memref_slice %arg6[%add3A_37, %dma_start3A_40] : memref<327680x64xf32, #tpu.memory_space<hbm>> -> memref<128x64xf32, #tpu.memory_space<hbm>>
        tpu.enqueue_dma source(%arg9 : memref<128x64xf32, #tpu.memory_space<vmem>>) target(%dma_start3A_41 : memref<128x64xf32, #tpu.memory_space<hbm>>) target_semaphore(%run_scoped3A : memref<!tpu.dma_semaphore, #tpu.memory_space<semaphore_mem>>)
        %dma_wait3A_42 = arith.constant 0 : i32
        %dma_wait3A_43 = tpu.memref_slice %arg6[%add3A_37, %dma_wait3A_42] : memref<327680x64xf32, #tpu.memory_space<hbm>> -> memref<128x64xf32, #tpu.memory_space<hbm>>
        %dma_wait3A_44 = arith.constant 0 : i32
        %dma_wait3A_45 = tpu.memref_slice %arg6[%add3A_37, %dma_wait3A_44] : memref<327680x64xf32, #tpu.memory_space<hbm>> -> memref<128x64xf32, #tpu.memory_space<hbm>>
        tpu.wait_dma2 semaphore(%run_scoped3A : memref<!tpu.dma_semaphore, #tpu.memory_space<semaphore_mem>>) src(%arg9 : memref<128x64xf32, #tpu.memory_space<vmem>>) dst(%dma_wait3A_45 : memref<128x64xf32, #tpu.memory_space<hbm>>)
        tpu.yield
      }) : () -> ()
    }
    %scan3A_4 = arith.constant 80 : i32
    return
  }
}

#map = affine_map<(d0, d1) -> (0, 0, 0)>
#map1 = affine_map<(d0, d1) -> (0, 0)>
module attributes {stable_mosaic.version = 14 : i64} {
  func.func @_hist_body(%arg0: i32, %arg1: i32, %arg2: memref<32x80x128xi32, #tpu.memory_space<hbm>>, %arg3: memref<10112x16xf32, #tpu.memory_space<hbm>>, %arg4: memref<128x16xf32, #tpu.memory_space<hbm>>, %arg5: memref<2x10112x16xf32, #tpu.memory_space<hbm>>, %arg6: memref<80x128xi32, #tpu.memory_space<vmem>>, %arg7: memref<128x16xf32, #tpu.memory_space<vmem>>, %arg8: memref<10112x16xf32, #tpu.memory_space<vmem_shared>>, %arg9: memref<!tpu.dma_semaphore, #tpu.memory_space<semaphore_mem>>) attributes {dimension_semantics = [#tpu.dimension_semantics<core_parallel>, #tpu.dimension_semantics<subcore_parallel>], iteration_bounds = array<i64: 2, 16>, scalar_prefetch = 0 : i64, scratch_operands = 4 : i64, tpu.core_type = #tpu.core_type<sc_vector_subcore>, window_params = [{transform_indices = #map}, {transform_indices = #map1}, {transform_indices = #map1}, {transform_indices = #map}]} {
    %mul3A = arith.constant 16 : i32
    %mul3A_0 = arith.muli %arg0, %mul3A : i32
    %add3A = arith.addi %mul3A_0, %arg1 : i32
    %mul3A_1 = arith.constant 632 : i32
    %mul3A_2 = arith.muli %arg1, %mul3A_1 : i32
    %mul3A_3 = arith.constant 632 : i32
    %mul3A_4 = arith.muli %arg1, %mul3A_3 : i32
    "tpu.region"() ({
      %run_scoped3A = tpu.sem_alloc : memref<!tpu.dma_semaphore, #tpu.memory_space<semaphore_mem>>
      %dma_start3A = arith.constant 0 : i32
      %dma_start3A_14 = tpu.memref_slice %arg8[%mul3A_4, %dma_start3A] : memref<10112x16xf32, #tpu.memory_space<vmem_shared>> -> memref<632x16xf32, #tpu.memory_space<vmem_shared>>
      %dma_start3A_15 = arith.constant 0 : i32
      %dma_start3A_16 = tpu.memref_slice %arg3[%mul3A_2, %dma_start3A_15] : memref<10112x16xf32, #tpu.memory_space<hbm>> -> memref<632x16xf32, #tpu.memory_space<hbm>>
      tpu.enqueue_dma source(%dma_start3A_16 : memref<632x16xf32, #tpu.memory_space<hbm>>) target(%dma_start3A_14 : memref<632x16xf32, #tpu.memory_space<vmem_shared>>) target_semaphore(%run_scoped3A : memref<!tpu.dma_semaphore, #tpu.memory_space<semaphore_mem>>)
      %dma_wait3A = arith.constant 0 : i32
      %dma_wait3A_17 = tpu.memref_slice %arg8[%mul3A_4, %dma_wait3A] : memref<10112x16xf32, #tpu.memory_space<vmem_shared>> -> memref<632x16xf32, #tpu.memory_space<vmem_shared>>
      %dma_wait3A_18 = arith.constant 0 : i32
      %dma_wait3A_19 = tpu.memref_slice %arg3[%mul3A_2, %dma_wait3A_18] : memref<10112x16xf32, #tpu.memory_space<hbm>> -> memref<632x16xf32, #tpu.memory_space<hbm>>
      tpu.wait_dma2 semaphore(%run_scoped3A : memref<!tpu.dma_semaphore, #tpu.memory_space<semaphore_mem>>) src(%dma_wait3A_19 : memref<632x16xf32, #tpu.memory_space<hbm>>) dst(%dma_wait3A_17 : memref<632x16xf32, #tpu.memory_space<vmem_shared>>)
      tpu.yield
    }) : () -> ()
    "tpu.region"() ({
      %run_scoped3A = tpu.sem_alloc : memref<!tpu.dma_semaphore, #tpu.memory_space<semaphore_mem>>
      tpu.enqueue_dma source(%arg4 : memref<128x16xf32, #tpu.memory_space<hbm>>) target(%arg7 : memref<128x16xf32, #tpu.memory_space<vmem>>) target_semaphore(%run_scoped3A : memref<!tpu.dma_semaphore, #tpu.memory_space<semaphore_mem>>)
      tpu.wait_dma2 semaphore(%run_scoped3A : memref<!tpu.dma_semaphore, #tpu.memory_space<semaphore_mem>>) src(%arg4 : memref<128x16xf32, #tpu.memory_space<hbm>>) dst(%arg7 : memref<128x16xf32, #tpu.memory_space<vmem>>)
      tpu.yield
    }) : () -> ()
    "tpu.region"() ({
      %run_scoped3A = tpu.sem_alloc : memref<!tpu.dma_semaphore, #tpu.memory_space<semaphore_mem>>
      %dma_start3A = arith.constant 0 : i32
      %dma_start3A_14 = arith.constant 0 : i32
      %dma_start3A_15 = tpu.memref_slice %arg2[%add3A, %dma_start3A, %dma_start3A_14] : memref<32x80x128xi32, #tpu.memory_space<hbm>> -> memref<1x80x128xi32, #tpu.memory_space<hbm>>
      %dma_start3A_16 = tpu.memref_squeeze %dma_start3A_15 : memref<1x80x128xi32, #tpu.memory_space<hbm>> -> memref<80x128xi32, #tpu.memory_space<hbm>>
      %dma_start3A_17 = arith.constant 0 : i32
      %dma_start3A_18 = arith.constant 0 : i32
      %dma_start3A_19 = tpu.memref_slice %arg2[%add3A, %dma_start3A_17, %dma_start3A_18] : memref<32x80x128xi32, #tpu.memory_space<hbm>> -> memref<1x80x128xi32, #tpu.memory_space<hbm>>
      %dma_start3A_20 = tpu.memref_squeeze %dma_start3A_19 : memref<1x80x128xi32, #tpu.memory_space<hbm>> -> memref<80x128xi32, #tpu.memory_space<hbm>>
      tpu.enqueue_dma source(%dma_start3A_20 : memref<80x128xi32, #tpu.memory_space<hbm>>) target(%arg6 : memref<80x128xi32, #tpu.memory_space<vmem>>) target_semaphore(%run_scoped3A : memref<!tpu.dma_semaphore, #tpu.memory_space<semaphore_mem>>)
      %dma_wait3A = arith.constant 0 : i32
      %dma_wait3A_21 = arith.constant 0 : i32
      %dma_wait3A_22 = tpu.memref_slice %arg2[%add3A, %dma_wait3A, %dma_wait3A_21] : memref<32x80x128xi32, #tpu.memory_space<hbm>> -> memref<1x80x128xi32, #tpu.memory_space<hbm>>
      %dma_wait3A_23 = tpu.memref_squeeze %dma_wait3A_22 : memref<1x80x128xi32, #tpu.memory_space<hbm>> -> memref<80x128xi32, #tpu.memory_space<hbm>>
      %dma_wait3A_24 = arith.constant 0 : i32
      %dma_wait3A_25 = arith.constant 0 : i32
      %dma_wait3A_26 = tpu.memref_slice %arg2[%add3A, %dma_wait3A_24, %dma_wait3A_25] : memref<32x80x128xi32, #tpu.memory_space<hbm>> -> memref<1x80x128xi32, #tpu.memory_space<hbm>>
      %dma_wait3A_27 = tpu.memref_squeeze %dma_wait3A_26 : memref<1x80x128xi32, #tpu.memory_space<hbm>> -> memref<80x128xi32, #tpu.memory_space<hbm>>
      tpu.wait_dma2 semaphore(%run_scoped3A : memref<!tpu.dma_semaphore, #tpu.memory_space<semaphore_mem>>) src(%dma_wait3A_27 : memref<80x128xi32, #tpu.memory_space<hbm>>) dst(%arg6 : memref<80x128xi32, #tpu.memory_space<vmem>>)
      tpu.yield
    }) : () -> ()
    %barrier3A = arith.constant 0 : index
    tpu.barrier barrier_id(%barrier3A)
    %scan3A = arith.constant 0 : i32
    %scan3A_5 = arith.constant 80 : i32
    %scan3A_6 = arith.addi %scan3A, %scan3A_5 : i32
    %scan3A_7 = arith.constant 1 : i32
    scf.for %scan3A_14 = %scan3A to %scan3A_6 step %scan3A_7  : i32 {
      "tpu.region"() ({
        %run_scoped3A = tpu.sem_alloc : memref<!tpu.dma_semaphore, #tpu.memory_space<semaphore_mem>>
        %dma_start3A = arith.constant 0 : i32
        %dma_start3A_15 = tpu.memref_slice %arg6[%scan3A_14, %dma_start3A] : memref<80x128xi32, #tpu.memory_space<vmem>> -> memref<1x128xi32, #tpu.memory_space<vmem>>
        %dma_start3A_16 = tpu.memref_squeeze %dma_start3A_15 : memref<1x128xi32, #tpu.memory_space<vmem>> -> memref<128xi32, #tpu.memory_space<vmem>>
        %dma_start3A_17 = arith.constant 0 : i32
        %dma_start3A_18 = arith.constant 0 : i32
        %dma_start3A_19 = tpu.memref_slice %arg8[%dma_start3A_17, %dma_start3A_18] : memref<10112x16xf32, #tpu.memory_space<vmem_shared>> -> memref<10112x16xf32, #tpu.memory_space<vmem_shared>>
        tpu.enqueue_indirect_dma source(%arg7 : memref<128x16xf32, #tpu.memory_space<vmem>>) target(%dma_start3A_19 : memref<10112x16xf32, #tpu.memory_space<vmem_shared>>) offsets(%dma_start3A_16 : memref<128xi32, #tpu.memory_space<vmem>>) semaphore(%run_scoped3A : memref<!tpu.dma_semaphore, #tpu.memory_space<semaphore_mem>>) {add = true}
        %dma_wait3A = arith.constant 0 : i32
        %dma_wait3A_20 = tpu.memref_slice %arg6[%scan3A_14, %dma_wait3A] : memref<80x128xi32, #tpu.memory_space<vmem>> -> memref<1x128xi32, #tpu.memory_space<vmem>>
        %dma_wait3A_21 = tpu.memref_squeeze %dma_wait3A_20 : memref<1x128xi32, #tpu.memory_space<vmem>> -> memref<128xi32, #tpu.memory_space<vmem>>
        %dma_wait3A_22 = arith.constant 0 : i32
        %dma_wait3A_23 = arith.constant 0 : i32
        %dma_wait3A_24 = tpu.memref_slice %arg8[%dma_wait3A_22, %dma_wait3A_23] : memref<10112x16xf32, #tpu.memory_space<vmem_shared>> -> memref<10112x16xf32, #tpu.memory_space<vmem_shared>>
        tpu.wait_indirect_dma semaphore(%run_scoped3A : memref<!tpu.dma_semaphore, #tpu.memory_space<semaphore_mem>>) src(%arg7 : memref<128x16xf32, #tpu.memory_space<vmem>>) dst(%dma_wait3A_24 : memref<10112x16xf32, #tpu.memory_space<vmem_shared>>)
        tpu.yield
      }) : () -> ()
    }
    %scan3A_8 = arith.constant 80 : i32
    %barrier3A_9 = arith.constant 0 : index
    tpu.barrier barrier_id(%barrier3A_9)
    %mul3A_10 = arith.constant 632 : i32
    %mul3A_11 = arith.muli %arg1, %mul3A_10 : i32
    %mul3A_12 = arith.constant 632 : i32
    %mul3A_13 = arith.muli %arg1, %mul3A_12 : i32
    "tpu.region"() ({
      %run_scoped3A = tpu.sem_alloc : memref<!tpu.dma_semaphore, #tpu.memory_space<semaphore_mem>>
      %dma_start3A = arith.constant 0 : i32
      %dma_start3A_14 = tpu.memref_slice %arg5[%arg0, %mul3A_13, %dma_start3A] : memref<2x10112x16xf32, #tpu.memory_space<hbm>> -> memref<1x632x16xf32, #tpu.memory_space<hbm>>
      %dma_start3A_15 = tpu.memref_squeeze %dma_start3A_14 : memref<1x632x16xf32, #tpu.memory_space<hbm>> -> memref<632x16xf32, #tpu.memory_space<hbm>>
      %dma_start3A_16 = arith.constant 0 : i32
      %dma_start3A_17 = tpu.memref_slice %arg8[%mul3A_11, %dma_start3A_16] : memref<10112x16xf32, #tpu.memory_space<vmem_shared>> -> memref<632x16xf32, #tpu.memory_space<vmem_shared>>
      tpu.enqueue_dma source(%dma_start3A_17 : memref<632x16xf32, #tpu.memory_space<vmem_shared>>) target(%dma_start3A_15 : memref<632x16xf32, #tpu.memory_space<hbm>>) target_semaphore(%run_scoped3A : memref<!tpu.dma_semaphore, #tpu.memory_space<semaphore_mem>>)
      %dma_wait3A = arith.constant 0 : i32
      %dma_wait3A_18 = tpu.memref_slice %arg5[%arg0, %mul3A_13, %dma_wait3A] : memref<2x10112x16xf32, #tpu.memory_space<hbm>> -> memref<1x632x16xf32, #tpu.memory_space<hbm>>
      %dma_wait3A_19 = tpu.memref_squeeze %dma_wait3A_18 : memref<1x632x16xf32, #tpu.memory_space<hbm>> -> memref<632x16xf32, #tpu.memory_space<hbm>>
      %dma_wait3A_20 = arith.constant 0 : i32
      %dma_wait3A_21 = tpu.memref_slice %arg8[%mul3A_11, %dma_wait3A_20] : memref<10112x16xf32, #tpu.memory_space<vmem_shared>> -> memref<632x16xf32, #tpu.memory_space<vmem_shared>>
      tpu.wait_dma2 semaphore(%run_scoped3A : memref<!tpu.dma_semaphore, #tpu.memory_space<semaphore_mem>>) src(%dma_wait3A_21 : memref<632x16xf32, #tpu.memory_space<vmem_shared>>) dst(%dma_wait3A_19 : memref<632x16xf32, #tpu.memory_space<hbm>>)
      tpu.yield
    }) : () -> ()
    return
  }
}

#map = affine_map<(d0, d1) -> (0, 0)>
#map1 = affine_map<(d0, d1) -> (0, 0, 0)>
module attributes {stable_mosaic.version = 14 : i64} {
  func.func @_scatter_body(%arg0: i32, %arg1: i32, %arg2: memref<10112x64xf32, #tpu.memory_space<hbm>>, %arg3: memref<32x80x128xi32, #tpu.memory_space<hbm>>, %arg4: memref<32x80x128xi32, #tpu.memory_space<hbm>>, %arg5: memref<10112x64xf32, #tpu.memory_space<hbm>>, %arg6: memref<2x10112x64xf32, #tpu.memory_space<hbm>>, %arg7: memref<80x128xi32, #tpu.memory_space<vmem>>, %arg8: memref<80x128xi32, #tpu.memory_space<vmem>>, %arg9: memref<128x64xf32, #tpu.memory_space<vmem>>, %arg10: memref<10112x64xf32, #tpu.memory_space<vmem_shared>>, %arg11: memref<!tpu.dma_semaphore, #tpu.memory_space<semaphore_mem>>) attributes {dimension_semantics = [#tpu.dimension_semantics<core_parallel>, #tpu.dimension_semantics<subcore_parallel>], iteration_bounds = array<i64: 2, 16>, scalar_prefetch = 0 : i64, scratch_operands = 5 : i64, tpu.core_type = #tpu.core_type<sc_vector_subcore>, window_params = [{transform_indices = #map}, {transform_indices = #map1}, {transform_indices = #map1}, {transform_indices = #map}, {transform_indices = #map1}]} {
    %mul3A = arith.constant 16 : i32
    %mul3A_0 = arith.muli %arg0, %mul3A : i32
    %add3A = arith.addi %mul3A_0, %arg1 : i32
    %mul3A_1 = arith.constant 632 : i32
    %mul3A_2 = arith.muli %arg1, %mul3A_1 : i32
    %mul3A_3 = arith.constant 632 : i32
    %mul3A_4 = arith.muli %arg1, %mul3A_3 : i32
    "tpu.region"() ({
      %run_scoped3A = tpu.sem_alloc : memref<!tpu.dma_semaphore, #tpu.memory_space<semaphore_mem>>
      %dma_start3A = arith.constant 0 : i32
      %dma_start3A_14 = tpu.memref_slice %arg10[%mul3A_4, %dma_start3A] : memref<10112x64xf32, #tpu.memory_space<vmem_shared>> -> memref<632x64xf32, #tpu.memory_space<vmem_shared>>
      %dma_start3A_15 = arith.constant 0 : i32
      %dma_start3A_16 = tpu.memref_slice %arg5[%mul3A_2, %dma_start3A_15] : memref<10112x64xf32, #tpu.memory_space<hbm>> -> memref<632x64xf32, #tpu.memory_space<hbm>>
      tpu.enqueue_dma source(%dma_start3A_16 : memref<632x64xf32, #tpu.memory_space<hbm>>) target(%dma_start3A_14 : memref<632x64xf32, #tpu.memory_space<vmem_shared>>) target_semaphore(%run_scoped3A : memref<!tpu.dma_semaphore, #tpu.memory_space<semaphore_mem>>)
      %dma_wait3A = arith.constant 0 : i32
      %dma_wait3A_17 = tpu.memref_slice %arg10[%mul3A_4, %dma_wait3A] : memref<10112x64xf32, #tpu.memory_space<vmem_shared>> -> memref<632x64xf32, #tpu.memory_space<vmem_shared>>
      %dma_wait3A_18 = arith.constant 0 : i32
      %dma_wait3A_19 = tpu.memref_slice %arg5[%mul3A_2, %dma_wait3A_18] : memref<10112x64xf32, #tpu.memory_space<hbm>> -> memref<632x64xf32, #tpu.memory_space<hbm>>
      tpu.wait_dma2 semaphore(%run_scoped3A : memref<!tpu.dma_semaphore, #tpu.memory_space<semaphore_mem>>) src(%dma_wait3A_19 : memref<632x64xf32, #tpu.memory_space<hbm>>) dst(%dma_wait3A_17 : memref<632x64xf32, #tpu.memory_space<vmem_shared>>)
      tpu.yield
    }) : () -> ()
    "tpu.region"() ({
      %run_scoped3A = tpu.sem_alloc : memref<!tpu.dma_semaphore, #tpu.memory_space<semaphore_mem>>
      %dma_start3A = arith.constant 0 : i32
      %dma_start3A_14 = arith.constant 0 : i32
      %dma_start3A_15 = tpu.memref_slice %arg3[%add3A, %dma_start3A, %dma_start3A_14] : memref<32x80x128xi32, #tpu.memory_space<hbm>> -> memref<1x80x128xi32, #tpu.memory_space<hbm>>
      %dma_start3A_16 = tpu.memref_squeeze %dma_start3A_15 : memref<1x80x128xi32, #tpu.memory_space<hbm>> -> memref<80x128xi32, #tpu.memory_space<hbm>>
      %dma_start3A_17 = arith.constant 0 : i32
      %dma_start3A_18 = arith.constant 0 : i32
      %dma_start3A_19 = tpu.memref_slice %arg3[%add3A, %dma_start3A_17, %dma_start3A_18] : memref<32x80x128xi32, #tpu.memory_space<hbm>> -> memref<1x80x128xi32, #tpu.memory_space<hbm>>
      %dma_start3A_20 = tpu.memref_squeeze %dma_start3A_19 : memref<1x80x128xi32, #tpu.memory_space<hbm>> -> memref<80x128xi32, #tpu.memory_space<hbm>>
      tpu.enqueue_dma source(%dma_start3A_20 : memref<80x128xi32, #tpu.memory_space<hbm>>) target(%arg7 : memref<80x128xi32, #tpu.memory_space<vmem>>) target_semaphore(%run_scoped3A : memref<!tpu.dma_semaphore, #tpu.memory_space<semaphore_mem>>)
      %dma_wait3A = arith.constant 0 : i32
      %dma_wait3A_21 = arith.constant 0 : i32
      %dma_wait3A_22 = tpu.memref_slice %arg3[%add3A, %dma_wait3A, %dma_wait3A_21] : memref<32x80x128xi32, #tpu.memory_space<hbm>> -> memref<1x80x128xi32, #tpu.memory_space<hbm>>
      %dma_wait3A_23 = tpu.memref_squeeze %dma_wait3A_22 : memref<1x80x128xi32, #tpu.memory_space<hbm>> -> memref<80x128xi32, #tpu.memory_space<hbm>>
      %dma_wait3A_24 = arith.constant 0 : i32
      %dma_wait3A_25 = arith.constant 0 : i32
      %dma_wait3A_26 = tpu.memref_slice %arg3[%add3A, %dma_wait3A_24, %dma_wait3A_25] : memref<32x80x128xi32, #tpu.memory_space<hbm>> -> memref<1x80x128xi32, #tpu.memory_space<hbm>>
      %dma_wait3A_27 = tpu.memref_squeeze %dma_wait3A_26 : memref<1x80x128xi32, #tpu.memory_space<hbm>> -> memref<80x128xi32, #tpu.memory_space<hbm>>
      tpu.wait_dma2 semaphore(%run_scoped3A : memref<!tpu.dma_semaphore, #tpu.memory_space<semaphore_mem>>) src(%dma_wait3A_27 : memref<80x128xi32, #tpu.memory_space<hbm>>) dst(%arg7 : memref<80x128xi32, #tpu.memory_space<vmem>>)
      tpu.yield
    }) : () -> ()
    "tpu.region"() ({
      %run_scoped3A = tpu.sem_alloc : memref<!tpu.dma_semaphore, #tpu.memory_space<semaphore_mem>>
      %dma_start3A = arith.constant 0 : i32
      %dma_start3A_14 = arith.constant 0 : i32
      %dma_start3A_15 = tpu.memref_slice %arg4[%add3A, %dma_start3A, %dma_start3A_14] : memref<32x80x128xi32, #tpu.memory_space<hbm>> -> memref<1x80x128xi32, #tpu.memory_space<hbm>>
      %dma_start3A_16 = tpu.memref_squeeze %dma_start3A_15 : memref<1x80x128xi32, #tpu.memory_space<hbm>> -> memref<80x128xi32, #tpu.memory_space<hbm>>
      %dma_start3A_17 = arith.constant 0 : i32
      %dma_start3A_18 = arith.constant 0 : i32
      %dma_start3A_19 = tpu.memref_slice %arg4[%add3A, %dma_start3A_17, %dma_start3A_18] : memref<32x80x128xi32, #tpu.memory_space<hbm>> -> memref<1x80x128xi32, #tpu.memory_space<hbm>>
      %dma_start3A_20 = tpu.memref_squeeze %dma_start3A_19 : memref<1x80x128xi32, #tpu.memory_space<hbm>> -> memref<80x128xi32, #tpu.memory_space<hbm>>
      tpu.enqueue_dma source(%dma_start3A_20 : memref<80x128xi32, #tpu.memory_space<hbm>>) target(%arg8 : memref<80x128xi32, #tpu.memory_space<vmem>>) target_semaphore(%run_scoped3A : memref<!tpu.dma_semaphore, #tpu.memory_space<semaphore_mem>>)
      %dma_wait3A = arith.constant 0 : i32
      %dma_wait3A_21 = arith.constant 0 : i32
      %dma_wait3A_22 = tpu.memref_slice %arg4[%add3A, %dma_wait3A, %dma_wait3A_21] : memref<32x80x128xi32, #tpu.memory_space<hbm>> -> memref<1x80x128xi32, #tpu.memory_space<hbm>>
      %dma_wait3A_23 = tpu.memref_squeeze %dma_wait3A_22 : memref<1x80x128xi32, #tpu.memory_space<hbm>> -> memref<80x128xi32, #tpu.memory_space<hbm>>
      %dma_wait3A_24 = arith.constant 0 : i32
      %dma_wait3A_25 = arith.constant 0 : i32
      %dma_wait3A_26 = tpu.memref_slice %arg4[%add3A, %dma_wait3A_24, %dma_wait3A_25] : memref<32x80x128xi32, #tpu.memory_space<hbm>> -> memref<1x80x128xi32, #tpu.memory_space<hbm>>
      %dma_wait3A_27 = tpu.memref_squeeze %dma_wait3A_26 : memref<1x80x128xi32, #tpu.memory_space<hbm>> -> memref<80x128xi32, #tpu.memory_space<hbm>>
      tpu.wait_dma2 semaphore(%run_scoped3A : memref<!tpu.dma_semaphore, #tpu.memory_space<semaphore_mem>>) src(%dma_wait3A_27 : memref<80x128xi32, #tpu.memory_space<hbm>>) dst(%arg8 : memref<80x128xi32, #tpu.memory_space<vmem>>)
      tpu.yield
    }) : () -> ()
    %barrier3A = arith.constant 0 : index
    tpu.barrier barrier_id(%barrier3A)
    %scan3A = arith.constant 0 : i32
    %scan3A_5 = arith.constant 80 : i32
    %scan3A_6 = arith.addi %scan3A, %scan3A_5 : i32
    %scan3A_7 = arith.constant 1 : i32
    scf.for %scan3A_14 = %scan3A to %scan3A_6 step %scan3A_7  : i32 {
      %dma_start3A = arith.constant 0 : i32
      %dma_start3A_15 = tpu.memref_slice %arg7[%scan3A_14, %dma_start3A] : memref<80x128xi32, #tpu.memory_space<vmem>> -> memref<1x128xi32, #tpu.memory_space<vmem>>
      %dma_start3A_16 = tpu.memref_squeeze %dma_start3A_15 : memref<1x128xi32, #tpu.memory_space<vmem>> -> memref<128xi32, #tpu.memory_space<vmem>>
      %dma_start3A_17 = arith.constant 0 : i32
      %dma_start3A_18 = arith.constant 0 : i32
      %dma_start3A_19 = tpu.memref_slice %arg2[%dma_start3A_17, %dma_start3A_18] : memref<10112x64xf32, #tpu.memory_space<hbm>> -> memref<10112x64xf32, #tpu.memory_space<hbm>>
      tpu.enqueue_indirect_dma source(%dma_start3A_19 : memref<10112x64xf32, #tpu.memory_space<hbm>>) target(%arg9 : memref<128x64xf32, #tpu.memory_space<vmem>>) offsets(%dma_start3A_16 : memref<128xi32, #tpu.memory_space<vmem>>) semaphore(%arg11 : memref<!tpu.dma_semaphore, #tpu.memory_space<semaphore_mem>>)
      %dma_wait3A = arith.constant 0 : i32
      %dma_wait3A_20 = tpu.memref_slice %arg7[%scan3A_14, %dma_wait3A] : memref<80x128xi32, #tpu.memory_space<vmem>> -> memref<1x128xi32, #tpu.memory_space<vmem>>
      %dma_wait3A_21 = tpu.memref_squeeze %dma_wait3A_20 : memref<1x128xi32, #tpu.memory_space<vmem>> -> memref<128xi32, #tpu.memory_space<vmem>>
      %dma_wait3A_22 = arith.constant 0 : i32
      %dma_wait3A_23 = arith.constant 0 : i32
      %dma_wait3A_24 = tpu.memref_slice %arg2[%dma_wait3A_22, %dma_wait3A_23] : memref<10112x64xf32, #tpu.memory_space<hbm>> -> memref<10112x64xf32, #tpu.memory_space<hbm>>
      tpu.wait_indirect_dma semaphore(%arg11 : memref<!tpu.dma_semaphore, #tpu.memory_space<semaphore_mem>>) src(%dma_wait3A_24 : memref<10112x64xf32, #tpu.memory_space<hbm>>) dst(%arg9 : memref<128x64xf32, #tpu.memory_space<vmem>>)
      "tpu.region"() ({
        %run_scoped3A = tpu.sem_alloc : memref<!tpu.dma_semaphore, #tpu.memory_space<semaphore_mem>>
        %dma_start3A_25 = arith.constant 0 : i32
        %dma_start3A_26 = tpu.memref_slice %arg8[%scan3A_14, %dma_start3A_25] : memref<80x128xi32, #tpu.memory_space<vmem>> -> memref<1x128xi32, #tpu.memory_space<vmem>>
        %dma_start3A_27 = tpu.memref_squeeze %dma_start3A_26 : memref<1x128xi32, #tpu.memory_space<vmem>> -> memref<128xi32, #tpu.memory_space<vmem>>
        %dma_start3A_28 = arith.constant 0 : i32
        %dma_start3A_29 = arith.constant 0 : i32
        %dma_start3A_30 = tpu.memref_slice %arg10[%dma_start3A_28, %dma_start3A_29] : memref<10112x64xf32, #tpu.memory_space<vmem_shared>> -> memref<10112x64xf32, #tpu.memory_space<vmem_shared>>
        tpu.enqueue_indirect_dma source(%arg9 : memref<128x64xf32, #tpu.memory_space<vmem>>) target(%dma_start3A_30 : memref<10112x64xf32, #tpu.memory_space<vmem_shared>>) offsets(%dma_start3A_27 : memref<128xi32, #tpu.memory_space<vmem>>) semaphore(%run_scoped3A : memref<!tpu.dma_semaphore, #tpu.memory_space<semaphore_mem>>) {add = true}
        %dma_wait3A_31 = arith.constant 0 : i32
        %dma_wait3A_32 = tpu.memref_slice %arg8[%scan3A_14, %dma_wait3A_31] : memref<80x128xi32, #tpu.memory_space<vmem>> -> memref<1x128xi32, #tpu.memory_space<vmem>>
        %dma_wait3A_33 = tpu.memref_squeeze %dma_wait3A_32 : memref<1x128xi32, #tpu.memory_space<vmem>> -> memref<128xi32, #tpu.memory_space<vmem>>
        %dma_wait3A_34 = arith.constant 0 : i32
        %dma_wait3A_35 = arith.constant 0 : i32
        %dma_wait3A_36 = tpu.memref_slice %arg10[%dma_wait3A_34, %dma_wait3A_35] : memref<10112x64xf32, #tpu.memory_space<vmem_shared>> -> memref<10112x64xf32, #tpu.memory_space<vmem_shared>>
        tpu.wait_indirect_dma semaphore(%run_scoped3A : memref<!tpu.dma_semaphore, #tpu.memory_space<semaphore_mem>>) src(%arg9 : memref<128x64xf32, #tpu.memory_space<vmem>>) dst(%dma_wait3A_36 : memref<10112x64xf32, #tpu.memory_space<vmem_shared>>)
        tpu.yield
      }) : () -> ()
    }
    %scan3A_8 = arith.constant 80 : i32
    %barrier3A_9 = arith.constant 0 : index
    tpu.barrier barrier_id(%barrier3A_9)
    %mul3A_10 = arith.constant 632 : i32
    %mul3A_11 = arith.muli %arg1, %mul3A_10 : i32
    %mul3A_12 = arith.constant 632 : i32
    %mul3A_13 = arith.muli %arg1, %mul3A_12 : i32
    "tpu.region"() ({
      %run_scoped3A = tpu.sem_alloc : memref<!tpu.dma_semaphore, #tpu.memory_space<semaphore_mem>>
      %dma_start3A = arith.constant 0 : i32
      %dma_start3A_14 = tpu.memref_slice %arg6[%arg0, %mul3A_13, %dma_start3A] : memref<2x10112x64xf32, #tpu.memory_space<hbm>> -> memref<1x632x64xf32, #tpu.memory_space<hbm>>
      %dma_start3A_15 = tpu.memref_squeeze %dma_start3A_14 : memref<1x632x64xf32, #tpu.memory_space<hbm>> -> memref<632x64xf32, #tpu.memory_space<hbm>>
      %dma_start3A_16 = arith.constant 0 : i32
      %dma_start3A_17 = tpu.memref_slice %arg10[%mul3A_11, %dma_start3A_16] : memref<10112x64xf32, #tpu.memory_space<vmem_shared>> -> memref<632x64xf32, #tpu.memory_space<vmem_shared>>
      tpu.enqueue_dma source(%dma_start3A_17 : memref<632x64xf32, #tpu.memory_space<vmem_shared>>) target(%dma_start3A_15 : memref<632x64xf32, #tpu.memory_space<hbm>>) target_semaphore(%run_scoped3A : memref<!tpu.dma_semaphore, #tpu.memory_space<semaphore_mem>>)
      %dma_wait3A = arith.constant 0 : i32
      %dma_wait3A_18 = tpu.memref_slice %arg6[%arg0, %mul3A_13, %dma_wait3A] : memref<2x10112x64xf32, #tpu.memory_space<hbm>> -> memref<1x632x64xf32, #tpu.memory_space<hbm>>
      %dma_wait3A_19 = tpu.memref_squeeze %dma_wait3A_18 : memref<1x632x64xf32, #tpu.memory_space<hbm>> -> memref<632x64xf32, #tpu.memory_space<hbm>>
      %dma_wait3A_20 = arith.constant 0 : i32
      %dma_wait3A_21 = tpu.memref_slice %arg10[%mul3A_11, %dma_wait3A_20] : memref<10112x64xf32, #tpu.memory_space<vmem_shared>> -> memref<632x64xf32, #tpu.memory_space<vmem_shared>>
      tpu.wait_dma2 semaphore(%run_scoped3A : memref<!tpu.dma_semaphore, #tpu.memory_space<semaphore_mem>>) src(%dma_wait3A_21 : memref<632x64xf32, #tpu.memory_space<vmem_shared>>) dst(%dma_wait3A_19 : memref<632x64xf32, #tpu.memory_space<hbm>>)
      tpu.yield
    }) : () -> ()
    return
  }
}

#map = affine_map<(d0, d1) -> (0, 0)>
#map1 = affine_map<(d0, d1) -> (0, 0, 0)>
module attributes {stable_mosaic.version = 14 : i64} {
  func.func @_scatter_body(%arg0: i32, %arg1: i32, %arg2: memref<10112x64xf32, #tpu.memory_space<hbm>>, %arg3: memref<32x80x128xi32, #tpu.memory_space<hbm>>, %arg4: memref<32x80x128xi32, #tpu.memory_space<hbm>>, %arg5: memref<10112x64xf32, #tpu.memory_space<hbm>>, %arg6: memref<2x10112x64xf32, #tpu.memory_space<hbm>>, %arg7: memref<80x128xi32, #tpu.memory_space<vmem>>, %arg8: memref<80x128xi32, #tpu.memory_space<vmem>>, %arg9: memref<128x64xf32, #tpu.memory_space<vmem>>, %arg10: memref<10112x64xf32, #tpu.memory_space<vmem_shared>>, %arg11: memref<!tpu.dma_semaphore, #tpu.memory_space<semaphore_mem>>) attributes {dimension_semantics = [#tpu.dimension_semantics<core_parallel>, #tpu.dimension_semantics<subcore_parallel>], iteration_bounds = array<i64: 2, 16>, scalar_prefetch = 0 : i64, scratch_operands = 5 : i64, tpu.core_type = #tpu.core_type<sc_vector_subcore>, window_params = [{transform_indices = #map}, {transform_indices = #map1}, {transform_indices = #map1}, {transform_indices = #map}, {transform_indices = #map1}]} {
    %mul3A = arith.constant 16 : i32
    %mul3A_0 = arith.muli %arg0, %mul3A : i32
    %add3A = arith.addi %mul3A_0, %arg1 : i32
    %mul3A_1 = arith.constant 632 : i32
    %mul3A_2 = arith.muli %arg1, %mul3A_1 : i32
    %mul3A_3 = arith.constant 632 : i32
    %mul3A_4 = arith.muli %arg1, %mul3A_3 : i32
    "tpu.region"() ({
      %run_scoped3A = tpu.sem_alloc : memref<!tpu.dma_semaphore, #tpu.memory_space<semaphore_mem>>
      %dma_start3A = arith.constant 0 : i32
      %dma_start3A_14 = tpu.memref_slice %arg10[%mul3A_4, %dma_start3A] : memref<10112x64xf32, #tpu.memory_space<vmem_shared>> -> memref<632x64xf32, #tpu.memory_space<vmem_shared>>
      %dma_start3A_15 = arith.constant 0 : i32
      %dma_start3A_16 = tpu.memref_slice %arg5[%mul3A_2, %dma_start3A_15] : memref<10112x64xf32, #tpu.memory_space<hbm>> -> memref<632x64xf32, #tpu.memory_space<hbm>>
      tpu.enqueue_dma source(%dma_start3A_16 : memref<632x64xf32, #tpu.memory_space<hbm>>) target(%dma_start3A_14 : memref<632x64xf32, #tpu.memory_space<vmem_shared>>) target_semaphore(%run_scoped3A : memref<!tpu.dma_semaphore, #tpu.memory_space<semaphore_mem>>)
      %dma_wait3A = arith.constant 0 : i32
      %dma_wait3A_17 = tpu.memref_slice %arg10[%mul3A_4, %dma_wait3A] : memref<10112x64xf32, #tpu.memory_space<vmem_shared>> -> memref<632x64xf32, #tpu.memory_space<vmem_shared>>
      %dma_wait3A_18 = arith.constant 0 : i32
      %dma_wait3A_19 = tpu.memref_slice %arg5[%mul3A_2, %dma_wait3A_18] : memref<10112x64xf32, #tpu.memory_space<hbm>> -> memref<632x64xf32, #tpu.memory_space<hbm>>
      tpu.wait_dma2 semaphore(%run_scoped3A : memref<!tpu.dma_semaphore, #tpu.memory_space<semaphore_mem>>) src(%dma_wait3A_19 : memref<632x64xf32, #tpu.memory_space<hbm>>) dst(%dma_wait3A_17 : memref<632x64xf32, #tpu.memory_space<vmem_shared>>)
      tpu.yield
    }) : () -> ()
    "tpu.region"() ({
      %run_scoped3A = tpu.sem_alloc : memref<!tpu.dma_semaphore, #tpu.memory_space<semaphore_mem>>
      %dma_start3A = arith.constant 0 : i32
      %dma_start3A_14 = arith.constant 0 : i32
      %dma_start3A_15 = tpu.memref_slice %arg3[%add3A, %dma_start3A, %dma_start3A_14] : memref<32x80x128xi32, #tpu.memory_space<hbm>> -> memref<1x80x128xi32, #tpu.memory_space<hbm>>
      %dma_start3A_16 = tpu.memref_squeeze %dma_start3A_15 : memref<1x80x128xi32, #tpu.memory_space<hbm>> -> memref<80x128xi32, #tpu.memory_space<hbm>>
      %dma_start3A_17 = arith.constant 0 : i32
      %dma_start3A_18 = arith.constant 0 : i32
      %dma_start3A_19 = tpu.memref_slice %arg3[%add3A, %dma_start3A_17, %dma_start3A_18] : memref<32x80x128xi32, #tpu.memory_space<hbm>> -> memref<1x80x128xi32, #tpu.memory_space<hbm>>
      %dma_start3A_20 = tpu.memref_squeeze %dma_start3A_19 : memref<1x80x128xi32, #tpu.memory_space<hbm>> -> memref<80x128xi32, #tpu.memory_space<hbm>>
      tpu.enqueue_dma source(%dma_start3A_20 : memref<80x128xi32, #tpu.memory_space<hbm>>) target(%arg7 : memref<80x128xi32, #tpu.memory_space<vmem>>) target_semaphore(%run_scoped3A : memref<!tpu.dma_semaphore, #tpu.memory_space<semaphore_mem>>)
      %dma_wait3A = arith.constant 0 : i32
      %dma_wait3A_21 = arith.constant 0 : i32
      %dma_wait3A_22 = tpu.memref_slice %arg3[%add3A, %dma_wait3A, %dma_wait3A_21] : memref<32x80x128xi32, #tpu.memory_space<hbm>> -> memref<1x80x128xi32, #tpu.memory_space<hbm>>
      %dma_wait3A_23 = tpu.memref_squeeze %dma_wait3A_22 : memref<1x80x128xi32, #tpu.memory_space<hbm>> -> memref<80x128xi32, #tpu.memory_space<hbm>>
      %dma_wait3A_24 = arith.constant 0 : i32
      %dma_wait3A_25 = arith.constant 0 : i32
      %dma_wait3A_26 = tpu.memref_slice %arg3[%add3A, %dma_wait3A_24, %dma_wait3A_25] : memref<32x80x128xi32, #tpu.memory_space<hbm>> -> memref<1x80x128xi32, #tpu.memory_space<hbm>>
      %dma_wait3A_27 = tpu.memref_squeeze %dma_wait3A_26 : memref<1x80x128xi32, #tpu.memory_space<hbm>> -> memref<80x128xi32, #tpu.memory_space<hbm>>
      tpu.wait_dma2 semaphore(%run_scoped3A : memref<!tpu.dma_semaphore, #tpu.memory_space<semaphore_mem>>) src(%dma_wait3A_27 : memref<80x128xi32, #tpu.memory_space<hbm>>) dst(%arg7 : memref<80x128xi32, #tpu.memory_space<vmem>>)
      tpu.yield
    }) : () -> ()
    "tpu.region"() ({
      %run_scoped3A = tpu.sem_alloc : memref<!tpu.dma_semaphore, #tpu.memory_space<semaphore_mem>>
      %dma_start3A = arith.constant 0 : i32
      %dma_start3A_14 = arith.constant 0 : i32
      %dma_start3A_15 = tpu.memref_slice %arg4[%add3A, %dma_start3A, %dma_start3A_14] : memref<32x80x128xi32, #tpu.memory_space<hbm>> -> memref<1x80x128xi32, #tpu.memory_space<hbm>>
      %dma_start3A_16 = tpu.memref_squeeze %dma_start3A_15 : memref<1x80x128xi32, #tpu.memory_space<hbm>> -> memref<80x128xi32, #tpu.memory_space<hbm>>
      %dma_start3A_17 = arith.constant 0 : i32
      %dma_start3A_18 = arith.constant 0 : i32
      %dma_start3A_19 = tpu.memref_slice %arg4[%add3A, %dma_start3A_17, %dma_start3A_18] : memref<32x80x128xi32, #tpu.memory_space<hbm>> -> memref<1x80x128xi32, #tpu.memory_space<hbm>>
      %dma_start3A_20 = tpu.memref_squeeze %dma_start3A_19 : memref<1x80x128xi32, #tpu.memory_space<hbm>> -> memref<80x128xi32, #tpu.memory_space<hbm>>
      tpu.enqueue_dma source(%dma_start3A_20 : memref<80x128xi32, #tpu.memory_space<hbm>>) target(%arg8 : memref<80x128xi32, #tpu.memory_space<vmem>>) target_semaphore(%run_scoped3A : memref<!tpu.dma_semaphore, #tpu.memory_space<semaphore_mem>>)
      %dma_wait3A = arith.constant 0 : i32
      %dma_wait3A_21 = arith.constant 0 : i32
      %dma_wait3A_22 = tpu.memref_slice %arg4[%add3A, %dma_wait3A, %dma_wait3A_21] : memref<32x80x128xi32, #tpu.memory_space<hbm>> -> memref<1x80x128xi32, #tpu.memory_space<hbm>>
      %dma_wait3A_23 = tpu.memref_squeeze %dma_wait3A_22 : memref<1x80x128xi32, #tpu.memory_space<hbm>> -> memref<80x128xi32, #tpu.memory_space<hbm>>
      %dma_wait3A_24 = arith.constant 0 : i32
      %dma_wait3A_25 = arith.constant 0 : i32
      %dma_wait3A_26 = tpu.memref_slice %arg4[%add3A, %dma_wait3A_24, %dma_wait3A_25] : memref<32x80x128xi32, #tpu.memory_space<hbm>> -> memref<1x80x128xi32, #tpu.memory_space<hbm>>
      %dma_wait3A_27 = tpu.memref_squeeze %dma_wait3A_26 : memref<1x80x128xi32, #tpu.memory_space<hbm>> -> memref<80x128xi32, #tpu.memory_space<hbm>>
      tpu.wait_dma2 semaphore(%run_scoped3A : memref<!tpu.dma_semaphore, #tpu.memory_space<semaphore_mem>>) src(%dma_wait3A_27 : memref<80x128xi32, #tpu.memory_space<hbm>>) dst(%arg8 : memref<80x128xi32, #tpu.memory_space<vmem>>)
      tpu.yield
    }) : () -> ()
    %barrier3A = arith.constant 0 : index
    tpu.barrier barrier_id(%barrier3A)
    %scan3A = arith.constant 0 : i32
    %scan3A_5 = arith.constant 80 : i32
    %scan3A_6 = arith.addi %scan3A, %scan3A_5 : i32
    %scan3A_7 = arith.constant 1 : i32
    scf.for %scan3A_14 = %scan3A to %scan3A_6 step %scan3A_7  : i32 {
      %dma_start3A = arith.constant 0 : i32
      %dma_start3A_15 = tpu.memref_slice %arg7[%scan3A_14, %dma_start3A] : memref<80x128xi32, #tpu.memory_space<vmem>> -> memref<1x128xi32, #tpu.memory_space<vmem>>
      %dma_start3A_16 = tpu.memref_squeeze %dma_start3A_15 : memref<1x128xi32, #tpu.memory_space<vmem>> -> memref<128xi32, #tpu.memory_space<vmem>>
      %dma_start3A_17 = arith.constant 0 : i32
      %dma_start3A_18 = arith.constant 0 : i32
      %dma_start3A_19 = tpu.memref_slice %arg2[%dma_start3A_17, %dma_start3A_18] : memref<10112x64xf32, #tpu.memory_space<hbm>> -> memref<10112x64xf32, #tpu.memory_space<hbm>>
      tpu.enqueue_indirect_dma source(%dma_start3A_19 : memref<10112x64xf32, #tpu.memory_space<hbm>>) target(%arg9 : memref<128x64xf32, #tpu.memory_space<vmem>>) offsets(%dma_start3A_16 : memref<128xi32, #tpu.memory_space<vmem>>) semaphore(%arg11 : memref<!tpu.dma_semaphore, #tpu.memory_space<semaphore_mem>>)
      %dma_wait3A = arith.constant 0 : i32
      %dma_wait3A_20 = tpu.memref_slice %arg7[%scan3A_14, %dma_wait3A] : memref<80x128xi32, #tpu.memory_space<vmem>> -> memref<1x128xi32, #tpu.memory_space<vmem>>
      %dma_wait3A_21 = tpu.memref_squeeze %dma_wait3A_20 : memref<1x128xi32, #tpu.memory_space<vmem>> -> memref<128xi32, #tpu.memory_space<vmem>>
      %dma_wait3A_22 = arith.constant 0 : i32
      %dma_wait3A_23 = arith.constant 0 : i32
      %dma_wait3A_24 = tpu.memref_slice %arg2[%dma_wait3A_22, %dma_wait3A_23] : memref<10112x64xf32, #tpu.memory_space<hbm>> -> memref<10112x64xf32, #tpu.memory_space<hbm>>
      tpu.wait_indirect_dma semaphore(%arg11 : memref<!tpu.dma_semaphore, #tpu.memory_space<semaphore_mem>>) src(%dma_wait3A_24 : memref<10112x64xf32, #tpu.memory_space<hbm>>) dst(%arg9 : memref<128x64xf32, #tpu.memory_space<vmem>>)
      "tpu.region"() ({
        %run_scoped3A = tpu.sem_alloc : memref<!tpu.dma_semaphore, #tpu.memory_space<semaphore_mem>>
        %dma_start3A_25 = arith.constant 0 : i32
        %dma_start3A_26 = tpu.memref_slice %arg8[%scan3A_14, %dma_start3A_25] : memref<80x128xi32, #tpu.memory_space<vmem>> -> memref<1x128xi32, #tpu.memory_space<vmem>>
        %dma_start3A_27 = tpu.memref_squeeze %dma_start3A_26 : memref<1x128xi32, #tpu.memory_space<vmem>> -> memref<128xi32, #tpu.memory_space<vmem>>
        %dma_start3A_28 = arith.constant 0 : i32
        %dma_start3A_29 = arith.constant 0 : i32
        %dma_start3A_30 = tpu.memref_slice %arg10[%dma_start3A_28, %dma_start3A_29] : memref<10112x64xf32, #tpu.memory_space<vmem_shared>> -> memref<10112x64xf32, #tpu.memory_space<vmem_shared>>
        tpu.enqueue_indirect_dma source(%arg9 : memref<128x64xf32, #tpu.memory_space<vmem>>) target(%dma_start3A_30 : memref<10112x64xf32, #tpu.memory_space<vmem_shared>>) offsets(%dma_start3A_27 : memref<128xi32, #tpu.memory_space<vmem>>) semaphore(%run_scoped3A : memref<!tpu.dma_semaphore, #tpu.memory_space<semaphore_mem>>) {add = true}
        %dma_wait3A_31 = arith.constant 0 : i32
        %dma_wait3A_32 = tpu.memref_slice %arg8[%scan3A_14, %dma_wait3A_31] : memref<80x128xi32, #tpu.memory_space<vmem>> -> memref<1x128xi32, #tpu.memory_space<vmem>>
        %dma_wait3A_33 = tpu.memref_squeeze %dma_wait3A_32 : memref<1x128xi32, #tpu.memory_space<vmem>> -> memref<128xi32, #tpu.memory_space<vmem>>
        %dma_wait3A_34 = arith.constant 0 : i32
        %dma_wait3A_35 = arith.constant 0 : i32
        %dma_wait3A_36 = tpu.memref_slice %arg10[%dma_wait3A_34, %dma_wait3A_35] : memref<10112x64xf32, #tpu.memory_space<vmem_shared>> -> memref<10112x64xf32, #tpu.memory_space<vmem_shared>>
        tpu.wait_indirect_dma semaphore(%run_scoped3A : memref<!tpu.dma_semaphore, #tpu.memory_space<semaphore_mem>>) src(%arg9 : memref<128x64xf32, #tpu.memory_space<vmem>>) dst(%dma_wait3A_36 : memref<10112x64xf32, #tpu.memory_space<vmem_shared>>)
        tpu.yield
      }) : () -> ()
    }
    %scan3A_8 = arith.constant 80 : i32
    %barrier3A_9 = arith.constant 0 : index
    tpu.barrier barrier_id(%barrier3A_9)
    %mul3A_10 = arith.constant 632 : i32
    %mul3A_11 = arith.muli %arg1, %mul3A_10 : i32
    %mul3A_12 = arith.constant 632 : i32
    %mul3A_13 = arith.muli %arg1, %mul3A_12 : i32
    "tpu.region"() ({
      %run_scoped3A = tpu.sem_alloc : memref<!tpu.dma_semaphore, #tpu.memory_space<semaphore_mem>>
      %dma_start3A = arith.constant 0 : i32
      %dma_start3A_14 = tpu.memref_slice %arg6[%arg0, %mul3A_13, %dma_start3A] : memref<2x10112x64xf32, #tpu.memory_space<hbm>> -> memref<1x632x64xf32, #tpu.memory_space<hbm>>
      %dma_start3A_15 = tpu.memref_squeeze %dma_start3A_14 : memref<1x632x64xf32, #tpu.memory_space<hbm>> -> memref<632x64xf32, #tpu.memory_space<hbm>>
      %dma_start3A_16 = arith.constant 0 : i32
      %dma_start3A_17 = tpu.memref_slice %arg10[%mul3A_11, %dma_start3A_16] : memref<10112x64xf32, #tpu.memory_space<vmem_shared>> -> memref<632x64xf32, #tpu.memory_space<vmem_shared>>
      tpu.enqueue_dma source(%dma_start3A_17 : memref<632x64xf32, #tpu.memory_space<vmem_shared>>) target(%dma_start3A_15 : memref<632x64xf32, #tpu.memory_space<hbm>>) target_semaphore(%run_scoped3A : memref<!tpu.dma_semaphore, #tpu.memory_space<semaphore_mem>>)
      %dma_wait3A = arith.constant 0 : i32
      %dma_wait3A_18 = tpu.memref_slice %arg6[%arg0, %mul3A_13, %dma_wait3A] : memref<2x10112x64xf32, #tpu.memory_space<hbm>> -> memref<1x632x64xf32, #tpu.memory_space<hbm>>
      %dma_wait3A_19 = tpu.memref_squeeze %dma_wait3A_18 : memref<1x632x64xf32, #tpu.memory_space<hbm>> -> memref<632x64xf32, #tpu.memory_space<hbm>>
      %dma_wait3A_20 = arith.constant 0 : i32
      %dma_wait3A_21 = tpu.memref_slice %arg10[%mul3A_11, %dma_wait3A_20] : memref<10112x64xf32, #tpu.memory_space<vmem_shared>> -> memref<632x64xf32, #tpu.memory_space<vmem_shared>>
      tpu.wait_dma2 semaphore(%run_scoped3A : memref<!tpu.dma_semaphore, #tpu.memory_space<semaphore_mem>>) src(%dma_wait3A_21 : memref<632x64xf32, #tpu.memory_space<vmem_shared>>) dst(%dma_wait3A_19 : memref<632x64xf32, #tpu.memory_space<hbm>>)
      tpu.yield
    }) : () -> ()
    return
  }
}

module attributes {stable_mosaic.version = 14 : i64} {
  func.func @_t1_body(%arg0: memref<10112x128xf32, #tpu.memory_space<vmem>>, %arg1: memref<128x64xf32, #tpu.memory_space<vmem>>, %arg2: memref<10112x16xf32, #tpu.memory_space<vmem>>, %arg3: memref<10112x16xf32, #tpu.memory_space<vmem>>, %arg4: memref<10112x64xf32, #tpu.memory_space<vmem>>) attributes {dimension_semantics = [], scalar_prefetch = 0 : i64, scratch_operands = 0 : i64, tpu.core_type = #tpu.core_type<tc>} {
    %get3A = arith.constant 0 : index
    %get3A_0 = arith.constant 0 : index
    %get3A_1 = vector.load %arg2[%get3A, %get3A_0] : memref<10112x16xf32, #tpu.memory_space<vmem>>, vector<10112x1xf32>
    %get3A_2 = arith.constant 0 : index
    %get3A_3 = arith.constant 0 : index
    %get3A_4 = vector.load %arg3[%get3A_2, %get3A_3] : memref<10112x16xf32, #tpu.memory_space<vmem>>, vector<10112x1xf32>
    %add3A = arith.addf %get3A_1, %get3A_4 : vector<10112x1xf32>
    %add3A_5 = arith.constant 1.000000e+00 : f32
    %add3A_6 = vector.broadcast %add3A_5 : f32 to vector<10112x1xf32>
    %add3A_7 = arith.addf %add3A, %add3A_6 : vector<10112x1xf32>
    %rsqrt3A = math.rsqrt %add3A_7 : vector<10112x1xf32>
    %get3A_8 = arith.constant 0 : index
    %get3A_9 = arith.constant 0 : index
    %get3A_10 = vector.load %arg0[%get3A_8, %get3A_9] : memref<10112x128xf32, #tpu.memory_space<vmem>>, vector<10112x128xf32>
    %get3A_11 = arith.constant 0 : index
    %get3A_12 = arith.constant 0 : index
    %get3A_13 = vector.load %arg1[%get3A_11, %get3A_12] : memref<128x64xf32, #tpu.memory_space<vmem>>, vector<128x64xf32>
    %dot_general3A = arith.constant dense<0.000000e+00> : vector<10112x64xf32>
    %dot_general3A_14 = tpu.matmul %get3A_10, %get3A_13, %dot_general3A {dimension_numbers = #tpu.dot_dimension_numbers<[1], [0], [0], [1], [0, 0, 1, 1], [], []>, transpose_lhs_hint = false} : vector<10112x128xf32>, vector<128x64xf32>, vector<10112x64xf32> -> vector<10112x64xf32>
    %mul3A = vector.broadcast %rsqrt3A : vector<10112x1xf32> to vector<10112x64xf32>
    %mul3A_15 = arith.mulf %mul3A, %dot_general3A_14 : vector<10112x64xf32>
    %swap3A = arith.constant 0 : index
    %swap3A_16 = arith.constant 0 : index
    %swap3A_17 = vector.load %arg4[%swap3A, %swap3A_16] : memref<10112x64xf32, #tpu.memory_space<vmem>>, vector<10112x64xf32>
    tpu.vector_store %arg4[%swap3A, %swap3A_16], %mul3A_15 {strides = array<i32>} : memref<10112x64xf32, #tpu.memory_space<vmem>>, vector<10112x64xf32>,
    return
  }
}

module attributes {stable_mosaic.version = 14 : i64} {
  func.func @_t2_body(%arg0: memref<10112x64xf32, #tpu.memory_space<vmem>>, %arg1: memref<10112x64xf32, #tpu.memory_space<vmem>>, %arg2: memref<10112x64xf32, #tpu.memory_space<vmem>>, %arg3: memref<10112x16xf32, #tpu.memory_space<vmem>>, %arg4: memref<10112x16xf32, #tpu.memory_space<vmem>>, %arg5: memref<64x64xf32, #tpu.memory_space<vmem>>, %arg6: memref<1x64xf32, #tpu.memory_space<vmem>>, %arg7: memref<10112x64xf32, #tpu.memory_space<vmem>>) attributes {dimension_semantics = [], scalar_prefetch = 0 : i64, scratch_operands = 0 : i64, tpu.core_type = #tpu.core_type<tc>} {
    %get3A = arith.constant 0 : index
    %get3A_0 = arith.constant 0 : index
    %get3A_1 = vector.load %arg3[%get3A, %get3A_0] : memref<10112x16xf32, #tpu.memory_space<vmem>>, vector<10112x1xf32>
    %get3A_2 = arith.constant 0 : index
    %get3A_3 = arith.constant 0 : index
    %get3A_4 = vector.load %arg4[%get3A_2, %get3A_3] : memref<10112x16xf32, #tpu.memory_space<vmem>>, vector<10112x1xf32>
    %add3A = arith.addf %get3A_1, %get3A_4 : vector<10112x1xf32>
    %add3A_5 = arith.constant 1.000000e+00 : f32
    %add3A_6 = vector.broadcast %add3A_5 : f32 to vector<10112x1xf32>
    %add3A_7 = arith.addf %add3A, %add3A_6 : vector<10112x1xf32>
    %rsqrt3A = math.rsqrt %add3A_7 : vector<10112x1xf32>
    %get3A_8 = arith.constant 0 : index
    %get3A_9 = arith.constant 0 : index
    %get3A_10 = vector.load %arg0[%get3A_8, %get3A_9] : memref<10112x64xf32, #tpu.memory_space<vmem>>, vector<10112x64xf32>
    %get3A_11 = arith.constant 0 : index
    %get3A_12 = arith.constant 0 : index
    %get3A_13 = vector.load %arg1[%get3A_11, %get3A_12] : memref<10112x64xf32, #tpu.memory_space<vmem>>, vector<10112x64xf32>
    %add3A_14 = arith.addf %get3A_10, %get3A_13 : vector<10112x64xf32>
    %get3A_15 = arith.constant 0 : index
    %get3A_16 = arith.constant 0 : index
    %get3A_17 = vector.load %arg2[%get3A_15, %get3A_16] : memref<10112x64xf32, #tpu.memory_space<vmem>>, vector<10112x64xf32>
    %add3A_18 = arith.addf %add3A_14, %get3A_17 : vector<10112x64xf32>
    %mul3A = vector.broadcast %rsqrt3A : vector<10112x1xf32> to vector<10112x64xf32>
    %mul3A_19 = arith.mulf %mul3A, %add3A_18 : vector<10112x64xf32>
    %get3A_20 = arith.constant 0 : index
    %get3A_21 = arith.constant 0 : index
    %get3A_22 = vector.load %arg6[%get3A_20, %get3A_21] : memref<1x64xf32, #tpu.memory_space<vmem>>, vector<1x64xf32>
    %add3A_23 = vector.broadcast %get3A_22 : vector<1x64xf32> to vector<10112x64xf32>
    %add3A_24 = arith.addf %mul3A_19, %add3A_23 : vector<10112x64xf32>
    %max3A = arith.constant 0.000000e+00 : f32
    %max3A_25 = vector.broadcast %max3A : f32 to vector<10112x64xf32>
    %max3A_26 = arith.maximumf %add3A_24, %max3A_25 : vector<10112x64xf32>
    %get3A_27 = arith.constant 0 : index
    %get3A_28 = arith.constant 0 : index
    %get3A_29 = vector.load %arg5[%get3A_27, %get3A_28] : memref<64x64xf32, #tpu.memory_space<vmem>>, vector<64x64xf32>
    %dot_general3A = arith.constant dense<0.000000e+00> : vector<10112x64xf32>
    %dot_general3A_30 = tpu.matmul %max3A_26, %get3A_29, %dot_general3A {dimension_numbers = #tpu.dot_dimension_numbers<[1], [0], [0], [1], [0, 0, 1, 1], [], []>, transpose_lhs_hint = false} : vector<10112x64xf32>, vector<64x64xf32>, vector<10112x64xf32> -> vector<10112x64xf32>
    %mul3A_31 = vector.broadcast %rsqrt3A : vector<10112x1xf32> to vector<10112x64xf32>
    %mul3A_32 = arith.mulf %mul3A_31, %dot_general3A_30 : vector<10112x64xf32>
    %swap3A = arith.constant 0 : index
    %swap3A_33 = arith.constant 0 : index
    %swap3A_34 = vector.load %arg7[%swap3A, %swap3A_33] : memref<10112x64xf32, #tpu.memory_space<vmem>>, vector<10112x64xf32>
    tpu.vector_store %arg7[%swap3A, %swap3A_33], %mul3A_32 {strides = array<i32>} : memref<10112x64xf32, #tpu.memory_space<vmem>>, vector<10112x64xf32>,
    return
  }
}

module attributes {stable_mosaic.version = 14 : i64} {
  func.func @_t3_body(%arg0: memref<10112x64xf32, #tpu.memory_space<vmem>>, %arg1: memref<10112x64xf32, #tpu.memory_space<vmem>>, %arg2: memref<10112x64xf32, #tpu.memory_space<vmem>>, %arg3: memref<10112x16xf32, #tpu.memory_space<vmem>>, %arg4: memref<10112x16xf32, #tpu.memory_space<vmem>>, %arg5: memref<1x64xf32, #tpu.memory_space<vmem>>, %arg6: memref<64x64xf32, #tpu.memory_space<vmem>>, %arg7: memref<64x64xf32, #tpu.memory_space<vmem>>, %arg8: memref<1x64xf32, #tpu.memory_space<vmem>>, %arg9: memref<10112x64xf32, #tpu.memory_space<vmem>>, %arg10: memref<10112x64xf32, #tpu.memory_space<vmem>>) attributes {dimension_semantics = [], scalar_prefetch = 0 : i64, scratch_operands = 0 : i64, tpu.core_type = #tpu.core_type<tc>} {
    %get3A = arith.constant 0 : index
    %get3A_0 = arith.constant 0 : index
    %get3A_1 = vector.load %arg3[%get3A, %get3A_0] : memref<10112x16xf32, #tpu.memory_space<vmem>>, vector<10112x1xf32>
    %get3A_2 = arith.constant 0 : index
    %get3A_3 = arith.constant 0 : index
    %get3A_4 = vector.load %arg4[%get3A_2, %get3A_3] : memref<10112x16xf32, #tpu.memory_space<vmem>>, vector<10112x1xf32>
    %add3A = arith.addf %get3A_1, %get3A_4 : vector<10112x1xf32>
    %add3A_5 = arith.constant 1.000000e+00 : f32
    %add3A_6 = vector.broadcast %add3A_5 : f32 to vector<10112x1xf32>
    %add3A_7 = arith.addf %add3A, %add3A_6 : vector<10112x1xf32>
    %rsqrt3A = math.rsqrt %add3A_7 : vector<10112x1xf32>
    %get3A_8 = arith.constant 0 : index
    %get3A_9 = arith.constant 0 : index
    %get3A_10 = vector.load %arg0[%get3A_8, %get3A_9] : memref<10112x64xf32, #tpu.memory_space<vmem>>, vector<10112x64xf32>
    %get3A_11 = arith.constant 0 : index
    %get3A_12 = arith.constant 0 : index
    %get3A_13 = vector.load %arg1[%get3A_11, %get3A_12] : memref<10112x64xf32, #tpu.memory_space<vmem>>, vector<10112x64xf32>
    %add3A_14 = arith.addf %get3A_10, %get3A_13 : vector<10112x64xf32>
    %get3A_15 = arith.constant 0 : index
    %get3A_16 = arith.constant 0 : index
    %get3A_17 = vector.load %arg2[%get3A_15, %get3A_16] : memref<10112x64xf32, #tpu.memory_space<vmem>>, vector<10112x64xf32>
    %add3A_18 = arith.addf %add3A_14, %get3A_17 : vector<10112x64xf32>
    %mul3A = vector.broadcast %rsqrt3A : vector<10112x1xf32> to vector<10112x64xf32>
    %mul3A_19 = arith.mulf %mul3A, %add3A_18 : vector<10112x64xf32>
    %get3A_20 = arith.constant 0 : index
    %get3A_21 = arith.constant 0 : index
    %get3A_22 = vector.load %arg5[%get3A_20, %get3A_21] : memref<1x64xf32, #tpu.memory_space<vmem>>, vector<1x64xf32>
    %add3A_23 = vector.broadcast %get3A_22 : vector<1x64xf32> to vector<10112x64xf32>
    %add3A_24 = arith.addf %mul3A_19, %add3A_23 : vector<10112x64xf32>
    %max3A = arith.constant 0.000000e+00 : f32
    %max3A_25 = vector.broadcast %max3A : f32 to vector<10112x64xf32>
    %max3A_26 = arith.maximumf %add3A_24, %max3A_25 : vector<10112x64xf32>
    %get3A_27 = arith.constant 0 : index
    %get3A_28 = arith.constant 0 : index
    %get3A_29 = vector.load %arg6[%get3A_27, %get3A_28] : memref<64x64xf32, #tpu.memory_space<vmem>>, vector<64x64xf32>
    %dot_general3A = arith.constant dense<0.000000e+00> : vector<10112x64xf32>
    %dot_general3A_30 = tpu.matmul %max3A_26, %get3A_29, %dot_general3A {dimension_numbers = #tpu.dot_dimension_numbers<[1], [0], [0], [1], [0, 0, 1, 1], [], []>, transpose_lhs_hint = false} : vector<10112x64xf32>, vector<64x64xf32>, vector<10112x64xf32> -> vector<10112x64xf32>
    %get3A_31 = arith.constant 0 : index
    %get3A_32 = arith.constant 0 : index
    %get3A_33 = vector.load %arg8[%get3A_31, %get3A_32] : memref<1x64xf32, #tpu.memory_space<vmem>>, vector<1x64xf32>
    %add3A_34 = vector.broadcast %get3A_33 : vector<1x64xf32> to vector<10112x64xf32>
    %add3A_35 = arith.addf %dot_general3A_30, %add3A_34 : vector<10112x64xf32>
    %swap3A = arith.constant 0 : index
    %swap3A_36 = arith.constant 0 : index
    %swap3A_37 = vector.load %arg9[%swap3A, %swap3A_36] : memref<10112x64xf32, #tpu.memory_space<vmem>>, vector<10112x64xf32>
    tpu.vector_store %arg9[%swap3A, %swap3A_36], %add3A_35 {strides = array<i32>} : memref<10112x64xf32, #tpu.memory_space<vmem>>, vector<10112x64xf32>,
    %get3A_38 = arith.constant 0 : index
    %get3A_39 = arith.constant 0 : index
    %get3A_40 = vector.load %arg7[%get3A_38, %get3A_39] : memref<64x64xf32, #tpu.memory_space<vmem>>, vector<64x64xf32>
    %dot_general3A_41 = arith.constant dense<0.000000e+00> : vector<10112x64xf32>
    %dot_general3A_42 = tpu.matmul %max3A_26, %get3A_40, %dot_general3A_41 {dimension_numbers = #tpu.dot_dimension_numbers<[1], [0], [0], [1], [0, 0, 1, 1], [], []>, transpose_lhs_hint = false} : vector<10112x64xf32>, vector<64x64xf32>, vector<10112x64xf32> -> vector<10112x64xf32>
    %swap3A_43 = arith.constant 0 : index
    %swap3A_44 = arith.constant 0 : index
    %swap3A_45 = vector.load %arg10[%swap3A_43, %swap3A_44] : memref<10112x64xf32, #tpu.memory_space<vmem>>, vector<10112x64xf32>
    tpu.vector_store %arg10[%swap3A_43, %swap3A_44], %dot_general3A_42 {strides = array<i32>} : memref<10112x64xf32, #tpu.memory_space<vmem>>, vector<10112x64xf32>,
    return
  }
}

module attributes {stable_mosaic.version = 14 : i64} {
  func.func @_t4_body(%arg0: i32, %arg1: memref<8192x64xf32, #tpu.memory_space<vmem>>, %arg2: memref<8192x1xf32, #tpu.memory_space<vmem>>, %arg3: memref<1x64xf32, #tpu.memory_space<vmem>>, %arg4: memref<1x64xf32, #tpu.memory_space<vmem>>, %arg5: memref<1x1xf32, #tpu.memory_space<vmem>>, %arg6: memref<8192xf32, #tpu.memory_space<vmem>>) attributes {dimension_semantics = [#tpu.dimension_semantics<arbitrary>], iteration_bounds = array<i64: 40>, scalar_prefetch = 0 : i64, scratch_operands = 0 : i64, tpu.core_type = #tpu.core_type<tc>, window_params = [{transform_indices = @transform_0, window_bounds = array<i64: 8192, 64>}, {transform_indices = @transform_1, window_bounds = array<i64: 8192, 1>}, {pipeline_mode = #tpu.pipeline_mode<synchronous>, transform_indices = @transform_2, window_bounds = array<i64: 1, 64>}, {pipeline_mode = #tpu.pipeline_mode<synchronous>, transform_indices = @transform_3, window_bounds = array<i64: 1, 64>}, {pipeline_mode = #tpu.pipeline_mode<synchronous>, transform_indices = @transform_4, window_bounds = array<i64: 1, 1>}, {transform_indices = @transform_5, window_bounds = array<i64: 8192>}]} {
    %get3A = arith.constant 0 : index
    %get3A_0 = arith.constant 0 : index
    %get3A_1 = vector.load %arg1[%get3A, %get3A_0] : memref<8192x64xf32, #tpu.memory_space<vmem>>, vector<8192x64xf32>
    %get3A_2 = arith.constant 0 : index
    %get3A_3 = arith.constant 0 : index
    %get3A_4 = vector.load %arg2[%get3A_2, %get3A_3] : memref<8192x1xf32, #tpu.memory_space<vmem>>, vector<8192x1xf32>
    %get3A_5 = arith.constant 0 : index
    %get3A_6 = arith.constant 0 : index
    %get3A_7 = vector.load %arg3[%get3A_5, %get3A_6] : memref<1x64xf32, #tpu.memory_space<vmem>>, vector<1x64xf32>
    %mul3A = vector.broadcast %get3A_4 : vector<8192x1xf32> to vector<8192x64xf32>
    %mul3A_8 = vector.broadcast %get3A_7 : vector<1x64xf32> to vector<8192x64xf32>
    %mul3A_9 = arith.mulf %mul3A, %mul3A_8 : vector<8192x64xf32>
    %add3A = arith.addf %get3A_1, %mul3A_9 : vector<8192x64xf32>
    %max3A = arith.constant 0.000000e+00 : f32
    %max3A_10 = vector.broadcast %max3A : f32 to vector<8192x64xf32>
    %max3A_11 = arith.maximumf %add3A, %max3A_10 : vector<8192x64xf32>
    %get3A_12 = arith.constant 0 : index
    %get3A_13 = arith.constant 0 : index
    %get3A_14 = vector.load %arg4[%get3A_12, %get3A_13] : memref<1x64xf32, #tpu.memory_space<vmem>>, vector<1x64xf32>
    %mul3A_15 = vector.broadcast %get3A_14 : vector<1x64xf32> to vector<8192x64xf32>
    %mul3A_16 = arith.mulf %max3A_11, %mul3A_15 : vector<8192x64xf32>
    %reduce_sum3A = arith.constant dense<0.000000e+00> : vector<8192xf32>
    %reduce_sum3A_17 = vector.multi_reduction <add>, %mul3A_16, %reduce_sum3A [1] : vector<8192x64xf32> to vector<8192xf32>
    %get3A_18 = arith.constant 0 : index
    %get3A_19 = arith.constant 0 : index
    %get3A_20 = vector.load %arg5[%get3A_18, %get3A_19] : memref<1x1xf32, #tpu.memory_space<vmem>>, vector<1x1xf32>
    %get3A_21 = vector.extract %get3A_20[0, 0] : f32 from vector<1x1xf32>
    %add3A_22 = vector.broadcast %get3A_21 : f32 to vector<8192xf32>
    %add3A_23 = arith.addf %reduce_sum3A_17, %add3A_22 : vector<8192xf32>
    %swap3A = arith.constant 0 : index
    %swap3A_24 = vector.load %arg6[%swap3A] : memref<8192xf32, #tpu.memory_space<vmem>>, vector<8192xf32>
    tpu.vector_store %arg6[%swap3A], %add3A_23 {strides = array<i32>} : memref<8192xf32, #tpu.memory_space<vmem>>, vector<8192xf32>,
    return
  }
  func.func @transform_0(%arg0: i32) -> (i32, i32) {
    %c0_i32 = arith.constant 0 : i32
    %c0_i32_0 = arith.constant 0 : i32
    return %arg0, %c0_i32 : i32, i32
  }
  func.func @transform_1(%arg0: i32) -> (i32, i32) {
    %c0_i32 = arith.constant 0 : i32
    %c0_i32_0 = arith.constant 0 : i32
    return %arg0, %c0_i32 : i32, i32
  }
  func.func @transform_2(%arg0: i32) -> (i32, i32) {
    %c0_i32 = arith.constant 0 : i32
    %c0_i32_0 = arith.constant 0 : i32
    %c0_i32_1 = arith.constant 0 : i32
    return %c0_i32, %c0_i32_0 : i32, i32
  }
  func.func @transform_3(%arg0: i32) -> (i32, i32) {
    %c0_i32 = arith.constant 0 : i32
    %c0_i32_0 = arith.constant 0 : i32
    %c0_i32_1 = arith.constant 0 : i32
    return %c0_i32, %c0_i32_0 : i32, i32
  }
  func.func @transform_4(%arg0: i32) -> (i32, i32) {
    %c0_i32 = arith.constant 0 : i32
    %c0_i32_0 = arith.constant 0 : i32
    %c0_i32_1 = arith.constant 0 : i32
    return %c0_i32, %c0_i32_0 : i32, i32
  }
  func.func @transform_5(%arg0: i32) -> i32 {
    %c0_i32 = arith.constant 0 : i32
    return %arg0 : i32
  }
}

</mosaic_0001>

<sc_bundles>
// kernel: kernel.10.cloned.1.call-start
scs
__scs_entry_jumppad:
0x0: {  	(pc) =	sbr.rel $0x88, $3  }
0x1: {  	(tag) =	ssettag $0x0;
	lr =	simm.s32 $0x1  }
0x2: {  	[smem:$0x3F96] =	sst lr;
	_ =	strace $0xD0000000  }
0x3: {  	_ = 	snop  }
0x4: {  	_ = 	snop  }
0x5: {  	_ = 	snop  }
0x6: {  	_ = 	snop  }
0x7: {  	_ = 	snop  }
__scs_overlays_trampoline_lowered:
0x8: {  	[smem:$0x3FA5] =	sst s0  }
0x9: {  	[smem:$0x3FA6] =	sst s1  }
0xa: {  	[smem:$0x3FA7] =	sst s2  }
0xb: {  	[smem:$0x3FA8] =	sst s3  }
0xc: {  	[smem:$0x3FA9] =	sst s4  }
0xd: {  	[smem:$0x3FAA] =	sst s5  }
0xe: {  	[smem:$0x3FAB] =	sst s6  }
0xf: {  	[smem:$0x3FAC] =	sst s7  }
0x10: {  	[smem:$0x3FAD] =	sst s8  }
0x11: {  	[smem:$0x3FAE] =	sst s9;
	s0 =	simm.s32 @!p0 $0x0  }
0x12: {  	s1 =	sld [smem:$0x3F94];
	s0 =	simm.s32 @p0 $0x1  }
0x13: {  	[smem:$0x3FAF] =	sst s0;
	s0 =	simm.s32 @!p1 $0x0  }
0x14: {  	s2 =	sld [smem:$0x3F93];
	s0 =	simm.s32 @p1 $0x1  }
0x15: {  	[smem:$0x3FB0] =	sst s0;
	s0 =	simm.s32 @!p2 $0x0  }
0x16: {  	s3 =	sld [smem:$0x3FDB];
	s0 =	simm.s32 @p2 $0x1  }
0x17: {  	s4 =	simm.s32 $0x1BF5;
	[smem:$0x3FB2] =	sst s0  }
0x18: {  	s0 =	sld [smem:$0x3F95];
	_ =	swait.ge [sflag:s4], $0x0  }
0x19: {  	s7 =	sld [smem:$0x3F96]  }
0x1a: {  	s8 =	sadd.s32 $0xFFFFE003, lr  }
0x1b: {  	s9 =	sadd.s32 $0xFFFFFEF7, lr;
	s5 =	simm.s32 $0xFFFFFFFF;
	p2 =	slt.u32 s8, $0xFFFFF086  }
0x1c: {  	p1 =	slt.u32 s9, $0xF7A;
	s5 =	simm.s32 @!p2 $0x0  }
0x1d: {  	s5 =	simm.s32 @p1 $0x1;
	p0 =	seq.s32 s7, s2  }
0x1e: {  	s7 =	smul.u32 @!p0 $0xF7A, s2;
	p2 =	seq.s32 @!p0 s5, $0x0  }
0x1f: {  	s9 =	smul.u32 $0xF7A, s1;
	s8 =	simm.s32 @!p0 $0x1BF5;
	p2 =	por !p2, p0  }
0x20: {  	[sflag:s8] =	ssyncset.s32 @!p0 $0xFFFFF086;
	s6 =	sadd.s32 @!p0 s3, s7;
	s7 =	simm.s32 @!p0 $0x108  }
0x21: {  	s3 =	sadd.s32 s3, s9;
	s6 =	sadd.s32 @!p0 $0x88, s6;
	s7 =	simm.s32 @p2 $0x1082  }
0x22: {  	[simem:s7], [sflag:s8] =	dma.local @!p0 [hbm:s6], $0xF7A  }
0x23: {  	s9 =	sor.u32 $0xD0000000, s2;
	s6 =	simm.s32 $0x108;
	_ =	swait.ge @!p0 [sflag:s8], $0x0  }
0x24: {  	s3 =	sadd.s32 $0x88, s3;
	s6 =	simm.s32 @!p1 $0x1082;
	[sflag:s4] =	ssyncset.s32 $0xFFFFF086  }
0x25: {  	[simem:s6], [sflag:s4] =	dma.local [hbm:s3], $0xF7A  }
0x26: {  	[smem:$0x3F96] =	sst s1;
	(tag) =	ssettag s2;
	_ =	strace s9  }
0x27: {  	s1 =	sld [smem:$0x3FA6]  }
0x28: {  	s2 =	sld [smem:$0x3FA7]  }
0x29: {  	s4 =	sld [smem:$0x3FA9]  }
0x2a: {  	p0 =	seq.s32 s5, $0x0;
	s5 =	sld [smem:$0x3FAA]  }
0x2b: {  	s6 =	sld [smem:$0x3FAB]  }
0x2c: {  	s7 =	sld [smem:$0x3FAC]  }
0x2d: {  	s3 =	simm.s32 $0x108;
	s8 =	sld [smem:$0x3FAD]  }
0x2e: {  	s3 =	simm.s32 @!p0 $0x1082;
	s9 =	sld [smem:$0x3FAE]  }
0x2f: {  	lr =	sadd.s32 s0, s3;
	s0 =	sld [smem:$0x3FA5]  }
0x30: {  	s3 =	sld [smem:$0x3FA8]  }
0x31: {  	[smem:$0x3FB1] =	sst s10  }
0x32: {  	s10 =	sld [smem:$0x3FAF];
	_ =	sdelay $0x3  }
0x33: {  	p0 =	seq.s32 s10, $0x1;
	s10 =	sld [smem:$0x3FB1];
	_ =	sdelay $0x3  }
0x34: {  	[smem:$0x3FB1] =	sst s10  }
0x35: {  	s10 =	sld [smem:$0x3FB0];
	_ =	sdelay $0x3  }
0x36: {  	p1 =	seq.s32 s10, $0x1;
	s10 =	sld [smem:$0x3FB1];
	_ =	sdelay $0x3  }
0x37: {  	[smem:$0x3FB1] =	sst s10  }
0x38: {  	s10 =	sld [smem:$0x3FB2]  }
0x39: {  	_ = 	snop;
	(pc) =	sbr.ind lr, $3  }
0x3a: {  	_ = 	snop  }
0x3b: {  	_ = 	snop  }
0x3c: {  	p2 =	seq.s32 s10, $0x1;
	s10 =	sld [smem:$0x3FB1]  }
0x3d: {  	_ =	shalt  }
0x3e: {  	_ =	shalt  }
0x3f: {  	_ =	shalt  }
0x40: {  	_ =	shalt  }
0x41: {  	_ =	shalt  }
0x42: {  	_ =	shalt  }
0x43: {  	_ =	shalt  }
0x44: {  	_ =	shalt  }
0x45: {  	_ =	shalt  }
0x46: {  	_ =	shalt  }
0x47: {  	_ =	shalt  }
0x48: {  	_ =	shalt  }
0x49: {  	_ =	shalt  }
0x4a: {  	_ =	shalt  }
0x4b: {  	_ =	shalt  }
0x4c: {  	_ =	shalt  }
0x4d: {  	_ =	shalt  }
0x4e: {  	_ =	shalt  }
0x4f: {  	_ =	shalt  }
0x50: {  	_ =	shalt  }
0x51: {  	_ =	shalt  }
0x52: {  	_ =	shalt  }
0x53: {  	_ =	shalt  }
0x54: {  	_ =	shalt  }
0x55: {  	_ =	shalt  }
0x56: {  	_ =	shalt  }
0x57: {  	_ =	shalt  }
0x58: {  	_ =	shalt  }
0x59: {  	_ =	shalt  }
0x5a: {  	_ =	shalt  }
0x5b: {  	_ =	shalt  }
0x5c: {  	_ =	shalt  }
0x5d: {  	_ =	shalt  }
0x5e: {  	_ =	shalt  }
0x5f: {  	_ =	shalt  }
0x60: {  	_ =	shalt  }
0x61: {  	_ =	shalt  }
0x62: {  	_ =	shalt  }
0x63: {  	_ =	shalt  }
0x64: {  	_ =	shalt  }
0x65: {  	_ =	shalt  }
0x66: {  	_ =	shalt  }
0x67: {  	_ =	shalt  }
0x68: {  	_ =	shalt  }
0x69: {  	_ =	shalt  }
0x6a: {  	_ =	shalt  }
0x6b: {  	_ =	shalt  }
0x6c: {  	_ =	shalt  }
0x6d: {  	_ =	shalt  }
0x6e: {  	_ =	shalt  }
0x6f: {  	_ =	shalt  }
0x70: {  	_ =	shalt  }
0x71: {  	_ =	shalt  }
0x72: {  	_ =	shalt  }
0x73: {  	_ =	shalt  }
0x74: {  	_ =	shalt  }
0x75: {  	_ =	shalt  }
0x76: {  	_ =	shalt  }
0x77: {  	_ =	shalt  }
0x78: {  	_ =	shalt  }
0x79: {  	_ =	shalt  }
0x7a: {  	_ =	shalt  }
0x7b: {  	_ =	shalt  }
0x7c: {  	_ =	shalt  }
0x7d: {  	_ =	shalt  }
0x7e: {  	_ =	shalt  }
0x7f: {  	_ =	shalt  }
0x80: {  	_ =	shalt  }
0x81: {  	_ =	shalt  }
0x82: {  	_ =	shalt  }
0x83: {  	_ =	shalt  }
0x84: {  	_ =	shalt  }
0x85: {  	_ =	shalt  }
0x86: {  	_ =	shalt  }
0x87: {  	_ =	shalt  }
.Lfunc_end0:
.L_simem_size_0:
called_computation_lowered:
.L_overlay_start_0:
0x88: {  	s2 =	sld [smem:$0x3FD9]  }
0x89: {  	s3 =	sld [smem:$0x3FFE];
	_ =	sdelay $0x1  }
0x8a: {  	s1 =	srdreg.scid  }
0x8b: {  	s0 =	sand.u32 $0x1, s1  }
0x8c: {  	s17 =	sshll.u32 s0, $0xA;
	s2 =	sadd.s32 s3, s2  }
0x8d: {  	s2 =	sadd.s32 s2, s17  }
0x8e: {  	[smem:$0x3FBD] =	sst s2  }
0x8f: {  	_ = 	snop  }
0x90: {  	s2 =	sld [smem:$0x3FD0];
	(tm) =	ssettm $0x1  }
0x91: {  	s18 =	sld [smem:$0x3FFB];
	_ =	sdelay $0x3  }
0x92: {  	_ =	strace s18  }
0x93: {  	s3 =	sld [smem:$0x3FFC];
	_ =	sdelay $0x3  }
0x94: {  	_ =	strace s3  }
0x95: {  	s3 =	sld [smem:$0x3FFD];
	_ =	sdelay $0x3  }
0x96: {  	_ =	strace s3  }
0x97: {  	_ =	strace $0x8FFFFFFF  }
0x98: {  	s19 =	sld [smem:$0x3FDB];
	_ =	sdelay $0x1  }
0x99: {  	s4 =	simm.s32 $_scs_section_size  }
0x9a: {  	s5 =	simm.s32 $_size__tile_overlayer_lowered;
	s6 =	simm.s32 $_tile_overlayer_lowered  }
0x9b: {  	s22 =	simm.s32 $0x1BFF;
	s21 =	sshll.u32 s6, $0x1;
	s3 =	sadd.s32 s4, s19  }
0x9c: {  	s7 =	simm.s32 $0x0;
	s20 =	sshll.u32 s5, $0x1;
	s5 =	sadd.s32 s21, s3  }
0x9d: {  	[timem:s7], [sflag:s22] =	dma.local [hbm:s5], s20  }
0x9e: {  	_ =	swait.ge [sflag:s22], s20  }
0x9f: {  	s4 =	ssub.s32 $0x0, s20;
	[sflag:s22] =	ssyncset.done $0x0  }
0xa0: {  	[sflag:s22] =	ssyncadd.s32 s4;
	_ =	sdelay $0x1  }
0xa1: {  	s23 =	simm.s32 $0x1B8B  }
0xa2: {  	_ =	swait.ge [sflag:s23], $0x1  }
0xa3: {  	[sflag:s23] =	ssyncset.done $0x0  }
0xa4: {  	s25 =	simm.s32 $0x1B8E;
	s24 =	sld [smem:$0x3FFE];
	[sflag:s23] =	ssyncadd.s32 $0xFFFFFFFF  }
0xa5: {  	s26 =	simm.s32 $execute0_lowered;
	[smem:$0x3FD2] =	sst s25  }
0xa6: {  	s5 =	sshll.u32 s26, $0x1;
	_ =	strace $0x80000046;
	[dreg:$0x1] =	wrdreg $0xFFFFFFFF  }
0xa7: {  	s28 =	simm.s32 $_size_execute0_lowered;
	s3 =	sadd.s32 s3, s5;
	[dreg:$0x0] =	wrdreg $0x0  }
0xa8: {  	s5 =	sshll.u32 s28, $0x1;
	[dreg:$0x2] =	wrdreg s3  }
0xa9: {  	[dreg:$0x3] =	wrdreg s5  }
0xaa: {  	[dreg:$0x4] =	wrdreg $0xC0  }
0xab: {  	_ =	task [dreg:s7], $0x5FFFF  }
0xac: {  	[dreg:$0x1] =	wrdreg $0xFFFFFFFF  }
0xad: {  	[dreg:$0x0] =	wrdreg $0x60  }
0xae: {  	[dreg:$0x2] =	wrdreg s24  }
0xaf: {  	[dreg:$0x3] =	wrdreg s2  }
0xb0: {  	[dreg:$0x4] =	wrdreg $0x30000  }
0xb1: {  	[dreg:$0x5] =	wrdreg $0x9  }
0xb2: {  	_ =	task.clear_ibuf [dreg:s7], $0x6FFFF;
	_ =	strace $0x90000046  }
0xb3: {  	s29 =	simm.s32 $0x9;
	_ =	strace $0x80000048  }
0xb4: {  	_ =	swait.ge [sflag:s29], $0x1  }
0xb5: {  	[sflag:s29] =	ssyncadd.s32 $0xFFFFFFFF  }
0xb6: {  	_ =	strace $0x90000048  }
0xb7: {  	_ =	sfence  }
0xb8: {  	s30 =	sld [smem:$0x0];
	_ =	sdelay $0x2  }
0xb9: {  	s31 =	sshll.u32 s1, $0xD;
	s1 =	sshrl.u32 s1, $0x2  }
0xba: {  	s3 =	sand.u32 $0x4000, s31;
	s1 =	sadd.s32 s1, s30  }
0xbb: {  	s0 =	sor.u32 s3, s0;
	s1 =	sshll.u32 s1, $0x11  }
0xbc: {  	s0 =	sor.u32 s1, s0  }
0xbd: {  	s0 =	sadd.s32 $0x8F2B, s0  }
0xbe: {  	[sflag:s0] =	ssyncadd.remote.s32 $0x1  }
0xbf: {  	_ =	sfence.sel $0xFFFF  }
0xc0: {  	[dreg:$0x0] =	wrdreg $0xFFFFFFFF;
	(pc) =	sbr.abs _section_cstart, $3  }
0xc1: {  	[dreg:$0x1] =	wrdreg $0xFFFFFFFF  }
0xc2: {  	_ =	task.clear_ibuf [dreg:s7], $0x2FFFF;
	_ =	strace $0x9FFFFFFF  }
0xc3: {  	(tm) =	ssettm $0x7FFFFFFF  }
tec
execute0_lowered:
.L_overlay_start_1:
0x0: {  	(tag) =	ssettag $0x1  }
0x1: {  	s5 =	rddreg [dreg:$0x0]  }
0x2: {  	s0 =	srdreg.scid;
	s6 =	rddreg [dreg:$0x1]  }
0x3: {  	s2 =	rddreg [dreg:$0x2];
	s3 =	simm.s32 $0x0;
	s12 =	simm.s32 $0x2800  }
0x4: {  	s13 =	simm.s32 $0x80;
	s4 =	sand.u32 $0x1, s0;
	s0 =	stileid.u32  }
0x5: {  	s14 =	simm.s32 $0x0;
	[smem:$0x7FF] =	sst s3;
	s8 =	smul.u32 $0x2780, s0  }
0x6: {  	s1 =	sshll.u32 s4, $0x4;
	s9 =	smul.u32 $0x27800, s4;
	s10 =	ssub.s32 $0x2, s4  }
0x7: {  	s4 =	sadd.s32 $0x2E00, s5;
	s31 =	sshll.u32 s0, $0x6;
	s1 =	sor.u32 s0, s1  }
0x8: {  	s11 =	sshrl.u32 s10, $0x1;
	s7 =	smul.u32 $0x500, s1;
	s1 =	rddreg [dreg:$0x3]  }
0x9: {  	_ =	strace $0x80000047;
	s9 =	sadd.s32 s8, s9;
	s10 =	ssub.s32 s10, s11  }
0xa: {  	s29 =	sshrl.u32 s8, $0x3;
	s30 =	sadd.s32 s8, s2;
	s9 =	sshrl.u32 s9, $0x3  }
0xb: {  	s11 =	simm.s32 $0x1;
	s7 =	sadd.s32 s7, s5;
	s9 =	sadd.s32 s9, s5  }
0xc: {  	s5 =	sadd.s32 s6, s29;
	s6 =	sor.u32 $0x1C01, s31;
	s7 =	sadd.s32 $0x3000, s7  }
0xd: {  	s8 =	sadd.s32 $0xD000, s9;
	s9 =	smax.u32 s10, $0x1;
	s10 =	sshrl.u32 s30, $0x3  }
.LBB2_1:
0xe: {  	[spmem:s10], [sflag:s6] =	dma.local [hbm:s5], $0x4F0  }
0xf: {  	_ =	swait.ge [sflag:s11], $0x4F0  }
0x10: {  	[sflag:s11] =	ssyncset.done $0x0  }
0x11: {  	[sflag:s11] =	ssyncadd.s32 $0xFFFFFB10  }
0x12: {  	[tilespmem:s12], [sflag:$0x1] =	stream.linear.gather [hbm4b:s4+s3], $0x800, $0x38;
	[tilespmem:$0x5780] =	vst v63  }
0x13: {  	_ =	swait.ge [sflag:s11], $0x800  }
0x14: {  	[sflag:s11] =	ssyncset.done $0x0  }
0x15: {  	[sflag:s11] =	ssyncadd.s32 $0xFFFFF800  }
0x16: {  	[tilespmem:s3], [sflag:$0x1] =	stream.linear.gather [hbm4b:s7+s3], $0x2800, $0x38;
	[tilespmem:$0x5780] =	vst v63  }
0x17: {  	_ =	swait.ge [sflag:s11], $0x2800  }
0x18: {  	[sflag:s11] =	ssyncset.done $0x0  }
0x19: {  	[sflag:s11] =	ssyncadd.s32 $0xFFFFD800  }
0x1a: {  	s15 =	simm.s32 $0x0;
	[bflag:$0x0] =	sbarrier.arrive $0xFFFF  }
0x1b: {  	[spmem:s2] =	stream.indirect.scatter.add.f32 [tilespmem:s12], [sflag:$0x1], $0x10, s15, s13, $0xb8;
	[tilespmem:$0x5780] =	vst v63  }
0x1c: {  	_ =	swait.ge [sflag:s11], $0x800  }
0x1d: {  	s15 =	simm.s32 $0x200;
	[sflag:s11] =	ssyncset.done $0x0  }
.LBB2_2:
0x1e: {  	s16 =	sshra.s32 s15, $0x2;
	[sflag:s11] =	ssyncadd.s32 $0xFFFFF800;
	p0 =	sne.s32 s15, $0x9E00  }
0x1f: {  	[spmem:s2] =	stream.indirect.scatter.add.f32 [tilespmem:s12], [sflag:$0x1], $0x10, s16, s13, $0xb8;
	[tilespmem:$0x5780] =	vst v63  }
.Ltmp0:
0x20: {  	_ = 	snop;
	(pc) =	sbr.rel @p0 .LBB2_2-.Ltmp0, $4  }
0x21: {  	_ = 	snop  }
0x22: {  	s15 =	sadd.s32 $0x200, s15  }
0x23: {  	_ =	swait.ge [sflag:s11], $0x800  }
0x24: {  	[sflag:s11] =	ssyncset.done $0x0  }
0x25: {  	s14 =	sadd.s32 $0x1, s14  }
0x26: {  	[sflag:s11] =	ssyncadd.s32 $0xFFFFF800;
	p0 =	sne.s32 s14, s9  }
.Ltmp1:
0x27: {  	[bflag:$0x0] =	sbarrier.arrive $0xFFFF;
	(pc) =	sbr.rel @p0 .LBB2_1-.Ltmp1, $4  }
0x28: {  	[hbm:s8], [sflag:s6] =	dma.local [spmem:s10], $0x4F0  }
0x29: {  	_ =	swait.ge [sflag:s11], $0x4F0  }
0x2a: {  	[sflag:s11] =	ssyncset.done $0x0  }
0x2b: {  	[sflag:s11] =	ssyncadd.s32 $0xFFFFFB10  }
0x2c: {  	_ =	sfence.sel $0x180000  }
0x2d: {  	[bflag:$0x0] =	sbarrier.arrive $0xFFFF  }
0x2e: {  	p0 =	sne.s32 s0, $0x0;
	_ =	strace $0x90000047  }
0x2f: {  	s0 =	sadd.s32 @!p0 $0x100000, s1;
	[bflag:$0x2] =	sbarrier.arrive $0xFFFF  }
0x30: {  	[sflag:s0] =	ssyncadd.tile.s32 @!p0 $0x1;
	_ =	shalt  }
.Lfunc_end2:
_tile_overlayer_lowered:
.L_overlay_start_2:
0x31: {  	(tag) =	ssettag $0x2  }
0x32: {  	s0 =	rddreg [dreg:$0x0];
	s2 =	stileid.u32  }
0x33: {  	s1 =	rddreg [dreg:$0x1];
	p0 =	sne.s32 s2, $0x0  }
0x34: {  	s3 =	rddreg [dreg:$0x2];
	[bflag:$0x3] =	sbarrier.arrive $0xFFFF;
	s2 =	simm.s32 @!p0 $0x1C01  }
0x35: {  	[timem:s3], [sflag:s2] =	dma.local @!p0 [hbm:s0], s1  }
0x36: {  	s0 =	simm.s32 @!p0 $0x1  }
0x37: {  	_ =	swait.ge @!p0 [sflag:s0], s1  }
0x38: {  	s1 =	ssub.s32 @!p0 $0x0, s1;
	[sflag:s0] =	ssyncset.done @!p0 $0x0  }
0x39: {  	[sflag:s0] =	ssyncadd.s32 @!p0 s1  }
0x3a: {  	[bflag:$0x3] =	sbarrier.arrive $0xFFFF  }
0x3b: {  	_ =	shalt  }

// kernel: kernel.13.cloned.1.call-start
scs
__scs_entry_jumppad:
0x0: {  	(pc) =	sbr.rel $0x88, $3  }
0x1: {  	(tag) =	ssettag $0x0;
	lr =	simm.s32 $0x1  }
0x2: {  	[smem:$0x3F96] =	sst lr;
	_ =	strace $0xD0000000  }
0x3: {  	_ = 	snop  }
0x4: {  	_ = 	snop  }
0x5: {  	_ = 	snop  }
0x6: {  	_ = 	snop  }
0x7: {  	_ = 	snop  }
__scs_overlays_trampoline_lowered:
0x8: {  	[smem:$0x3FA5] =	sst s0  }
0x9: {  	[smem:$0x3FA6] =	sst s1  }
0xa: {  	[smem:$0x3FA7] =	sst s2  }
0xb: {  	[smem:$0x3FA8] =	sst s3  }
0xc: {  	[smem:$0x3FA9] =	sst s4  }
0xd: {  	[smem:$0x3FAA] =	sst s5  }
0xe: {  	[smem:$0x3FAB] =	sst s6  }
0xf: {  	[smem:$0x3FAC] =	sst s7  }
0x10: {  	[smem:$0x3FAD] =	sst s8  }
0x11: {  	[smem:$0x3FAE] =	sst s9;
	s0 =	simm.s32 @!p0 $0x0  }
0x12: {  	s1 =	sld [smem:$0x3F94];
	s0 =	simm.s32 @p0 $0x1  }
0x13: {  	[smem:$0x3FAF] =	sst s0;
	s0 =	simm.s32 @!p1 $0x0  }
0x14: {  	s2 =	sld [smem:$0x3F93];
	s0 =	simm.s32 @p1 $0x1  }
0x15: {  	[smem:$0x3FB0] =	sst s0;
	s0 =	simm.s32 @!p2 $0x0  }
0x16: {  	s3 =	sld [smem:$0x3FDB];
	s0 =	simm.s32 @p2 $0x1  }
0x17: {  	s4 =	simm.s32 $0x1BF5;
	[smem:$0x3FB2] =	sst s0  }
0x18: {  	s0 =	sld [smem:$0x3F95];
	_ =	swait.ge [sflag:s4], $0x0  }
0x19: {  	s7 =	sld [smem:$0x3F96]  }
0x1a: {  	s8 =	sadd.s32 $0xFFFFE003, lr  }
0x1b: {  	s9 =	sadd.s32 $0xFFFFFEF7, lr;
	s5 =	simm.s32 $0xFFFFFFFF;
	p2 =	slt.u32 s8, $0xFFFFF086  }
0x1c: {  	p1 =	slt.u32 s9, $0xF7A;
	s5 =	simm.s32 @!p2 $0x0  }
0x1d: {  	s5 =	simm.s32 @p1 $0x1;
	p0 =	seq.s32 s7, s2  }
0x1e: {  	s7 =	smul.u32 @!p0 $0xF7A, s2;
	p2 =	seq.s32 @!p0 s5, $0x0  }
0x1f: {  	s9 =	smul.u32 $0xF7A, s1;
	s8 =	simm.s32 @!p0 $0x1BF5;
	p2 =	por !p2, p0  }
0x20: {  	[sflag:s8] =	ssyncset.s32 @!p0 $0xFFFFF086;
	s6 =	sadd.s32 @!p0 s3, s7;
	s7 =	simm.s32 @!p0 $0x108  }
0x21: {  	s3 =	sadd.s32 s3, s9;
	s6 =	sadd.s32 @!p0 $0x88, s6;
	s7 =	simm.s32 @p2 $0x1082  }
0x22: {  	[simem:s7], [sflag:s8] =	dma.local @!p0 [hbm:s6], $0xF7A  }
0x23: {  	s9 =	sor.u32 $0xD0000000, s2;
	s6 =	simm.s32 $0x108;
	_ =	swait.ge @!p0 [sflag:s8], $0x0  }
0x24: {  	s3 =	sadd.s32 $0x88, s3;
	s6 =	simm.s32 @!p1 $0x1082;
	[sflag:s4] =	ssyncset.s32 $0xFFFFF086  }
0x25: {  	[simem:s6], [sflag:s4] =	dma.local [hbm:s3], $0xF7A  }
0x26: {  	[smem:$0x3F96] =	sst s1;
	(tag) =	ssettag s2;
	_ =	strace s9  }
0x27: {  	s1 =	sld [smem:$0x3FA6]  }
0x28: {  	s2 =	sld [smem:$0x3FA7]  }
0x29: {  	s4 =	sld [smem:$0x3FA9]  }
0x2a: {  	p0 =	seq.s32 s5, $0x0;
	s5 =	sld [smem:$0x3FAA]  }
0x2b: {  	s6 =	sld [smem:$0x3FAB]  }
0x2c: {  	s7 =	sld [smem:$0x3FAC]  }
0x2d: {  	s3 =	simm.s32 $0x108;
	s8 =	sld [smem:$0x3FAD]  }
0x2e: {  	s3 =	simm.s32 @!p0 $0x1082;
	s9 =	sld [smem:$0x3FAE]  }
0x2f: {  	lr =	sadd.s32 s0, s3;
	s0 =	sld [smem:$0x3FA5]  }
0x30: {  	s3 =	sld [smem:$0x3FA8]  }
0x31: {  	[smem:$0x3FB1] =	sst s10  }
0x32: {  	s10 =	sld [smem:$0x3FAF];
	_ =	sdelay $0x3  }
0x33: {  	p0 =	seq.s32 s10, $0x1;
	s10 =	sld [smem:$0x3FB1];
	_ =	sdelay $0x3  }
0x34: {  	[smem:$0x3FB1] =	sst s10  }
0x35: {  	s10 =	sld [smem:$0x3FB0];
	_ =	sdelay $0x3  }
0x36: {  	p1 =	seq.s32 s10, $0x1;
	s10 =	sld [smem:$0x3FB1];
	_ =	sdelay $0x3  }
0x37: {  	[smem:$0x3FB1] =	sst s10  }
0x38: {  	s10 =	sld [smem:$0x3FB2]  }
0x39: {  	_ = 	snop;
	(pc) =	sbr.ind lr, $3  }
0x3a: {  	_ = 	snop  }
0x3b: {  	_ = 	snop  }
0x3c: {  	p2 =	seq.s32 s10, $0x1;
	s10 =	sld [smem:$0x3FB1]  }
0x3d: {  	_ =	shalt  }
0x3e: {  	_ =	shalt  }
0x3f: {  	_ =	shalt  }
0x40: {  	_ =	shalt  }
0x41: {  	_ =	shalt  }
0x42: {  	_ =	shalt  }
0x43: {  	_ =	shalt  }
0x44: {  	_ =	shalt  }
0x45: {  	_ =	shalt  }
0x46: {  	_ =	shalt  }
0x47: {  	_ =	shalt  }
0x48: {  	_ =	shalt  }
0x49: {  	_ =	shalt  }
0x4a: {  	_ =	shalt  }
0x4b: {  	_ =	shalt  }
0x4c: {  	_ =	shalt  }
0x4d: {  	_ =	shalt  }
0x4e: {  	_ =	shalt  }
0x4f: {  	_ =	shalt  }
0x50: {  	_ =	shalt  }
0x51: {  	_ =	shalt  }
0x52: {  	_ =	shalt  }
0x53: {  	_ =	shalt  }
0x54: {  	_ =	shalt  }
0x55: {  	_ =	shalt  }
0x56: {  	_ =	shalt  }
0x57: {  	_ =	shalt  }
0x58: {  	_ =	shalt  }
0x59: {  	_ =	shalt  }
0x5a: {  	_ =	shalt  }
0x5b: {  	_ =	shalt  }
0x5c: {  	_ =	shalt  }
0x5d: {  	_ =	shalt  }
0x5e: {  	_ =	shalt  }
0x5f: {  	_ =	shalt  }
0x60: {  	_ =	shalt  }
0x61: {  	_ =	shalt  }
0x62: {  	_ =	shalt  }
0x63: {  	_ =	shalt  }
0x64: {  	_ =	shalt  }
0x65: {  	_ =	shalt  }
0x66: {  	_ =	shalt  }
0x67: {  	_ =	shalt  }
0x68: {  	_ =	shalt  }
0x69: {  	_ =	shalt  }
0x6a: {  	_ =	shalt  }
0x6b: {  	_ =	shalt  }
0x6c: {  	_ =	shalt  }
0x6d: {  	_ =	shalt  }
0x6e: {  	_ =	shalt  }
0x6f: {  	_ =	shalt  }
0x70: {  	_ =	shalt  }
0x71: {  	_ =	shalt  }
0x72: {  	_ =	shalt  }
0x73: {  	_ =	shalt  }
0x74: {  	_ =	shalt  }
0x75: {  	_ =	shalt  }
0x76: {  	_ =	shalt  }
0x77: {  	_ =	shalt  }
0x78: {  	_ =	shalt  }
0x79: {  	_ =	shalt  }
0x7a: {  	_ =	shalt  }
0x7b: {  	_ =	shalt  }
0x7c: {  	_ =	shalt  }
0x7d: {  	_ =	shalt  }
0x7e: {  	_ =	shalt  }
0x7f: {  	_ =	shalt  }
0x80: {  	_ =	shalt  }
0x81: {  	_ =	shalt  }
0x82: {  	_ =	shalt  }
0x83: {  	_ =	shalt  }
0x84: {  	_ =	shalt  }
0x85: {  	_ =	shalt  }
0x86: {  	_ =	shalt  }
0x87: {  	_ =	shalt  }
.Lfunc_end0:
.L_simem_size_0:
called_computation.1_lowered:
.L_overlay_start_0:
0x88: {  	s2 =	sld [smem:$0x3FD9]  }
0x89: {  	s3 =	sld [smem:$0x3FFE];
	_ =	sdelay $0x1  }
0x8a: {  	s1 =	srdreg.scid  }
0x8b: {  	s0 =	sand.u32 $0x1, s1  }
0x8c: {  	s16 =	sshll.u32 s0, $0xA;
	s2 =	sadd.s32 s3, s2  }
0x8d: {  	s2 =	sadd.s32 s2, s16  }
0x8e: {  	[smem:$0x3FBD] =	sst s2  }
0x8f: {  	_ = 	snop  }
0x90: {  	(tm) =	ssettm $0x1  }
0x91: {  	s17 =	sld [smem:$0x3FFB];
	_ =	sdelay $0x3  }
0x92: {  	_ =	strace s17  }
0x93: {  	s2 =	sld [smem:$0x3FFC];
	_ =	sdelay $0x3  }
0x94: {  	_ =	strace s2  }
0x95: {  	s2 =	sld [smem:$0x3FFD];
	_ =	sdelay $0x3  }
0x96: {  	_ =	strace s2  }
0x97: {  	_ =	strace $0x8FFFFFFF  }
0x98: {  	s18 =	sld [smem:$0x3FDB];
	_ =	sdelay $0x1  }
0x99: {  	s19 =	simm.s32 $_scs_section_size  }
0x9a: {  	s4 =	simm.s32 $_size__tile_overlayer_lowered;
	s5 =	simm.s32 $_tile_overlayer_lowered  }
0x9b: {  	s22 =	simm.s32 $0x1BFF;
	s21 =	sshll.u32 s5, $0x1;
	s2 =	sadd.s32 s19, s18  }
0x9c: {  	s6 =	simm.s32 $0x0;
	s20 =	sshll.u32 s4, $0x1;
	s4 =	sadd.s32 s21, s2  }
0x9d: {  	[timem:s6], [sflag:s22] =	dma.local [hbm:s4], s20  }
0x9e: {  	_ =	swait.ge [sflag:s22], s20  }
0x9f: {  	s3 =	ssub.s32 $0x0, s20;
	[sflag:s22] =	ssyncset.done $0x0  }
0xa0: {  	[sflag:s22] =	ssyncadd.s32 s3;
	_ =	sdelay $0x1  }
0xa1: {  	s23 =	simm.s32 $0x1B8B  }
0xa2: {  	_ =	swait.ge [sflag:s23], $0x1  }
0xa3: {  	[sflag:s23] =	ssyncset.done $0x0  }
0xa4: {  	s25 =	simm.s32 $0x1B8E;
	s24 =	sld [smem:$0x3FFE];
	[sflag:s23] =	ssyncadd.s32 $0xFFFFFFFF  }
0xa5: {  	s26 =	simm.s32 $execute0_lowered;
	[smem:$0x3FD2] =	sst s25  }
0xa6: {  	s4 =	sshll.u32 s26, $0x1;
	_ =	strace $0x80000049;
	[dreg:$0x1] =	wrdreg $0xFFFFFFFF  }
0xa7: {  	s28 =	simm.s32 $_size_execute0_lowered;
	s2 =	sadd.s32 s2, s4;
	[dreg:$0x0] =	wrdreg $0x0  }
0xa8: {  	s4 =	sshll.u32 s28, $0x1;
	[dreg:$0x2] =	wrdreg s2  }
0xa9: {  	[dreg:$0x3] =	wrdreg s4  }
0xaa: {  	[dreg:$0x4] =	wrdreg $0xC0  }
0xab: {  	_ =	task [dreg:s6], $0x5FFFF  }
0xac: {  	[dreg:$0x1] =	wrdreg $0xFFFFFFFF  }
0xad: {  	[dreg:$0x0] =	wrdreg $0x60  }
0xae: {  	[dreg:$0x2] =	wrdreg s24  }
0xaf: {  	[dreg:$0x3] =	wrdreg $0x70000  }
0xb0: {  	[dreg:$0x4] =	wrdreg $0x9  }
0xb1: {  	_ =	task.clear_ibuf [dreg:s6], $0x5FFFF;
	_ =	strace $0x90000049  }
0xb2: {  	s29 =	simm.s32 $0x9;
	_ =	strace $0x8000004B  }
0xb3: {  	_ =	swait.ge [sflag:s29], $0x1  }
0xb4: {  	[sflag:s29] =	ssyncadd.s32 $0xFFFFFFFF  }
0xb5: {  	_ =	strace $0x9000004B  }
0xb6: {  	_ =	sfence  }
0xb7: {  	s30 =	sld [smem:$0x0];
	_ =	sdelay $0x2  }
0xb8: {  	s31 =	sshll.u32 s1, $0xD;
	s1 =	sshrl.u32 s1, $0x2  }
0xb9: {  	s3 =	sand.u32 $0x4000, s31;
	s1 =	sadd.s32 s1, s30  }
0xba: {  	s0 =	sor.u32 s3, s0;
	s1 =	sshll.u32 s1, $0x11  }
0xbb: {  	s0 =	sor.u32 s1, s0  }
0xbc: {  	s0 =	sadd.s32 $0x8F2B, s0  }
0xbd: {  	[sflag:s0] =	ssyncadd.remote.s32 $0x1  }
0xbe: {  	_ =	sfence.sel $0xFFFF  }
0xbf: {  	[dreg:$0x0] =	wrdreg $0xFFFFFFFF;
	(pc) =	sbr.abs _section_cstart, $3  }
0xc0: {  	[dreg:$0x1] =	wrdreg $0xFFFFFFFF  }
0xc1: {  	_ =	task.clear_ibuf [dreg:s6], $0x2FFFF;
	_ =	strace $0x9FFFFFFF  }
0xc2: {  	(tm) =	ssettm $0x7FFFFFFF  }
0xc3: {  	_ =	shalt  }
tec
execute0_lowered:
.L_overlay_start_1:
0x0: {  	(tag) =	ssettag $0x1  }
0x1: {  	s6 =	rddreg [dreg:$0x0]  }
0x2: {  	s0 =	srdreg.scid;
	s2 =	rddreg [dreg:$0x1]  }
0x3: {  	s3 =	simm.s32 $0x0;
	s14 =	simm.s32 $0x80;
	s15 =	simm.s32 $0x5000  }
0x4: {  	s16 =	simm.s32 $0x1;
	s5 =	sand.u32 $0x1, s0;
	s0 =	stileid.u32  }
0x5: {  	s17 =	simm.s32 $0x0;
	[smem:$0x7FF] =	sst s3;
	s8 =	smul.u32 $0x9E00, s0  }
0x6: {  	s4 =	sadd.s32 $0x6FE00, s6;
	s1 =	sshll.u32 s5, $0x4;
	s9 =	smul.u32 $0x9E000, s5  }
0x7: {  	s5 =	ssub.s32 $0x2, s5;
	s31 =	sshll.u32 s0, $0x6;
	s1 =	sor.u32 s0, s1  }
0x8: {  	s11 =	sshrl.u32 s5, $0x1;
	s7 =	smul.u32 $0x500, s1;
	s1 =	rddreg [dreg:$0x2]  }
0x9: {  	_ =	strace $0x8000004A;
	s29 =	sadd.s32 s8, s9;
	s30 =	sshrl.u32 s8, $0x3  }
0xa: {  	s11 =	ssub.s32 s5, s11;
	s13 =	sadd.s32 s8, s2;
	s9 =	sadd.s32 s30, s6  }
0xb: {  	s10 =	sadd.s32 s7, s6;
	s7 =	sshrl.u32 s29, $0x3;
	s5 =	sadd.s32 $0x83A00, s9  }
0xc: {  	s12 =	sadd.s32 s7, s6;
	s6 =	sor.u32 $0x1C02, s31;
	s7 =	sadd.s32 $0x16E00, s10  }
0xd: {  	s8 =	sadd.s32 $0x3000, s10;
	s10 =	smax.u32 s11, $0x1;
	s11 =	sshrl.u32 s13, $0x3  }
0xe: {  	s13 =	simm.s32 $0x2800;
	s9 =	sadd.s32 $0x97600, s12;
	s12 =	simm.s32 $0x2  }
.LBB2_1:
0xf: {  	[spmem:s11], [sflag:s6] =	dma.local [hbm:s5], $0x13C0  }
0x10: {  	_ =	swait.ge [sflag:s12], $0x13C0  }
0x11: {  	[sflag:s12] =	ssyncset.done $0x0  }
0x12: {  	[sflag:s12] =	ssyncadd.s32 $0xFFFFEC40  }
0x13: {  	[tilespmem:s3], [sflag:$0x2] =	stream.linear.gather [hbm4b:s7+s3], $0x2800, $0x38;
	[tilespmem:$0x10E00] =	vst v63  }
0x14: {  	_ =	swait.ge [sflag:s12], $0x2800  }
0x15: {  	[sflag:s12] =	ssyncset.done $0x0  }
0x16: {  	[sflag:s12] =	ssyncadd.s32 $0xFFFFD800  }
0x17: {  	[tilespmem:s13], [sflag:$0x2] =	stream.linear.gather [hbm4b:s8+s3], $0x2800, $0x38;
	[tilespmem:$0x10E00] =	vst v63  }
0x18: {  	_ =	swait.ge [sflag:s12], $0x2800  }
0x19: {  	[sflag:s12] =	ssyncset.done $0x0  }
0x1a: {  	[sflag:s12] =	ssyncadd.s32 $0xFFFFD800  }
0x1b: {  	s18 =	simm.s32 $0x0;
	[bflag:$0x0] =	sbarrier.arrive $0xFFFF  }
0x1c: {  	[tilespmem:s15], [sflag:$0x1] =	stream.indirect.gather [hbm4b:s4+s14], $0x40, s18, s14, $0xb8;
	[tilespmem:$0x10E00] =	vst v63  }
0x1d: {  	_ =	swait.ge [sflag:s16], $0x2000  }
0x1e: {  	[sflag:s16] =	ssyncset.done $0x0  }
0x1f: {  	s31 =	simm.s32 $0x2800;
	[sflag:s16] =	ssyncadd.s32 $0xFFFFE000  }
0x20: {  	[spmem:s2] =	stream.indirect.scatter.add.f32 [tilespmem:s15], [sflag:$0x2], $0x40, s31, s14, $0xb8;
	[tilespmem:$0x10E00] =	vst v63  }
0x21: {  	_ =	swait.ge [sflag:s12], $0x2000  }
0x22: {  	s19 =	simm.s32 $0x400;
	s18 =	simm.s32 $0x200;
	[sflag:s12] =	ssyncset.done $0x0  }
.LBB2_2:
0x23: {  	s20 =	sshra.s32 s18, $0x2  }
0x24: {  	[sflag:s12] =	ssyncadd.s32 $0xFFFFE000;
	s18 =	smov.u32 s19;
	s21 =	sadd.s32 $0x200, s19  }
0x25: {  	[tilespmem:s15], [sflag:$0x1] =	stream.indirect.gather [hbm4b:s4+s14], $0x40, s20, s14, $0xb8;
	[tilespmem:$0x10E00] =	vst v63  }
0x26: {  	p0 =	sne.s32 s19, $0x9E00;
	_ =	swait.ge [sflag:s16], $0x2000  }
.Ltmp0:
0x27: {  	[sflag:s16] =	ssyncset.done $0x0;
	(pc) =	sbr.rel @p0 .LBB2_2-.Ltmp0, $4  }
0x28: {  	s19 =	sadd.s32 $0x2800, s20;
	[sflag:s16] =	ssyncadd.s32 $0xFFFFE000  }
0x29: {  	[spmem:s2] =	stream.indirect.scatter.add.f32 [tilespmem:s15], [sflag:$0x2], $0x40, s19, s14, $0xb8;
	[tilespmem:$0x10E00] =	vst v63  }
0x2a: {  	_ =	swait.ge [sflag:s12], $0x2000  }
0x2b: {  	s19 =	smov.u32 s21;
	[sflag:s12] =	ssyncset.done $0x0  }
0x2c: {  	s18 =	sshra.s32 s18, $0x2;
	[sflag:s12] =	ssyncadd.s32 $0xFFFFE000  }
0x2d: {  	[tilespmem:s15], [sflag:$0x1] =	stream.indirect.gather [hbm4b:s4+s14], $0x40, s18, s14, $0xb8;
	[tilespmem:$0x10E00] =	vst v63  }
0x2e: {  	_ =	swait.ge [sflag:s16], $0x2000  }
0x2f: {  	[sflag:s16] =	ssyncset.done $0x0  }
0x30: {  	s18 =	sadd.s32 $0x2800, s18;
	[sflag:s16] =	ssyncadd.s32 $0xFFFFE000  }
0x31: {  	[spmem:s2] =	stream.indirect.scatter.add.f32 [tilespmem:s15], [sflag:$0x2], $0x40, s18, s14, $0xb8;
	[tilespmem:$0x10E00] =	vst v63  }
0x32: {  	_ =	swait.ge [sflag:s12], $0x2000  }
0x33: {  	s17 =	sadd.s32 $0x1, s17;
	[sflag:s12] =	ssyncset.done $0x0  }
0x34: {  	p0 =	sne.s32 s17, s10;
	[sflag:s12] =	ssyncadd.s32 $0xFFFFE000  }
.Ltmp1:
0x35: {  	[bflag:$0x0] =	sbarrier.arrive $0xFFFF;
	(pc) =	sbr.rel @p0 .LBB2_1-.Ltmp1, $4  }
0x36: {  	[hbm:s9], [sflag:s6] =	dma.local [spmem:s11], $0x13C0  }
0x37: {  	_ =	swait.ge [sflag:s12], $0x13C0  }
0x38: {  	[sflag:s12] =	ssyncset.done $0x0  }
0x39: {  	[sflag:s12] =	ssyncadd.s32 $0xFFFFEC40  }
0x3a: {  	_ =	sfence.sel $0x180000  }
0x3b: {  	[bflag:$0x0] =	sbarrier.arrive $0xFFFF  }
0x3c: {  	p0 =	sne.s32 s0, $0x0;
	_ =	strace $0x9000004A  }
0x3d: {  	s0 =	sadd.s32 @!p0 $0x100000, s1;
	[bflag:$0x2] =	sbarrier.arrive $0xFFFF  }
0x3e: {  	[sflag:s0] =	ssyncadd.tile.s32 @!p0 $0x1;
	_ =	shalt  }
.Lfunc_end2:
_tile_overlayer_lowered:
.L_overlay_start_2:
0x3f: {  	(tag) =	ssettag $0x2  }
0x40: {  	s0 =	rddreg [dreg:$0x0];
	s2 =	stileid.u32  }
0x41: {  	s1 =	rddreg [dreg:$0x1];
	p0 =	sne.s32 s2, $0x0  }
0x42: {  	s3 =	rddreg [dreg:$0x2];
	[bflag:$0x3] =	sbarrier.arrive $0xFFFF;
	s2 =	simm.s32 @!p0 $0x1C02  }
0x43: {  	[timem:s3], [sflag:s2] =	dma.local @!p0 [hbm:s0], s1  }
0x44: {  	s0 =	simm.s32 @!p0 $0x2  }
0x45: {  	_ =	swait.ge @!p0 [sflag:s0], s1  }
0x46: {  	s1 =	ssub.s32 @!p0 $0x0, s1;
	[sflag:s0] =	ssyncset.done @!p0 $0x0  }
0x47: {  	[sflag:s0] =	ssyncadd.s32 @!p0 s1  }
0x48: {  	[bflag:$0x3] =	sbarrier.arrive $0xFFFF  }
0x49: {  	_ =	shalt  }

// kernel: kernel.16.cloned.1.call-start
scs
__scs_entry_jumppad:
0x0: {  	(pc) =	sbr.rel $0x88, $3  }
0x1: {  	(tag) =	ssettag $0x0;
	lr =	simm.s32 $0x1  }
0x2: {  	[smem:$0x3F96] =	sst lr;
	_ =	strace $0xD0000000  }
0x3: {  	_ = 	snop  }
0x4: {  	_ = 	snop  }
0x5: {  	_ = 	snop  }
0x6: {  	_ = 	snop  }
0x7: {  	_ = 	snop  }
__scs_overlays_trampoline_lowered:
0x8: {  	[smem:$0x3FA5] =	sst s0  }
0x9: {  	[smem:$0x3FA6] =	sst s1  }
0xa: {  	[smem:$0x3FA7] =	sst s2  }
0xb: {  	[smem:$0x3FA8] =	sst s3  }
0xc: {  	[smem:$0x3FA9] =	sst s4  }
0xd: {  	[smem:$0x3FAA] =	sst s5  }
0xe: {  	[smem:$0x3FAB] =	sst s6  }
0xf: {  	[smem:$0x3FAC] =	sst s7  }
0x10: {  	[smem:$0x3FAD] =	sst s8  }
0x11: {  	[smem:$0x3FAE] =	sst s9;
	s0 =	simm.s32 @!p0 $0x0  }
0x12: {  	s1 =	sld [smem:$0x3F94];
	s0 =	simm.s32 @p0 $0x1  }
0x13: {  	[smem:$0x3FAF] =	sst s0;
	s0 =	simm.s32 @!p1 $0x0  }
0x14: {  	s2 =	sld [smem:$0x3F93];
	s0 =	simm.s32 @p1 $0x1  }
0x15: {  	[smem:$0x3FB0] =	sst s0;
	s0 =	simm.s32 @!p2 $0x0  }
0x16: {  	s3 =	sld [smem:$0x3FDB];
	s0 =	simm.s32 @p2 $0x1  }
0x17: {  	s4 =	simm.s32 $0x1BF5;
	[smem:$0x3FB2] =	sst s0  }
0x18: {  	s0 =	sld [smem:$0x3F95];
	_ =	swait.ge [sflag:s4], $0x0  }
0x19: {  	s7 =	sld [smem:$0x3F96]  }
0x1a: {  	s8 =	sadd.s32 $0xFFFFE003, lr  }
0x1b: {  	s9 =	sadd.s32 $0xFFFFFEF7, lr;
	s5 =	simm.s32 $0xFFFFFFFF;
	p2 =	slt.u32 s8, $0xFFFFF086  }
0x1c: {  	p1 =	slt.u32 s9, $0xF7A;
	s5 =	simm.s32 @!p2 $0x0  }
0x1d: {  	s5 =	simm.s32 @p1 $0x1;
	p0 =	seq.s32 s7, s2  }
0x1e: {  	s7 =	smul.u32 @!p0 $0xF7A, s2;
	p2 =	seq.s32 @!p0 s5, $0x0  }
0x1f: {  	s9 =	smul.u32 $0xF7A, s1;
	s8 =	simm.s32 @!p0 $0x1BF5;
	p2 =	por !p2, p0  }
0x20: {  	[sflag:s8] =	ssyncset.s32 @!p0 $0xFFFFF086;
	s6 =	sadd.s32 @!p0 s3, s7;
	s7 =	simm.s32 @!p0 $0x108  }
0x21: {  	s3 =	sadd.s32 s3, s9;
	s6 =	sadd.s32 @!p0 $0x88, s6;
	s7 =	simm.s32 @p2 $0x1082  }
0x22: {  	[simem:s7], [sflag:s8] =	dma.local @!p0 [hbm:s6], $0xF7A  }
0x23: {  	s9 =	sor.u32 $0xD0000000, s2;
	s6 =	simm.s32 $0x108;
	_ =	swait.ge @!p0 [sflag:s8], $0x0  }
0x24: {  	s3 =	sadd.s32 $0x88, s3;
	s6 =	simm.s32 @!p1 $0x1082;
	[sflag:s4] =	ssyncset.s32 $0xFFFFF086  }
0x25: {  	[simem:s6], [sflag:s4] =	dma.local [hbm:s3], $0xF7A  }
0x26: {  	[smem:$0x3F96] =	sst s1;
	(tag) =	ssettag s2;
	_ =	strace s9  }
0x27: {  	s1 =	sld [smem:$0x3FA6]  }
0x28: {  	s2 =	sld [smem:$0x3FA7]  }
0x29: {  	s4 =	sld [smem:$0x3FA9]  }
0x2a: {  	p0 =	seq.s32 s5, $0x0;
	s5 =	sld [smem:$0x3FAA]  }
0x2b: {  	s6 =	sld [smem:$0x3FAB]  }
0x2c: {  	s7 =	sld [smem:$0x3FAC]  }
0x2d: {  	s3 =	simm.s32 $0x108;
	s8 =	sld [smem:$0x3FAD]  }
0x2e: {  	s3 =	simm.s32 @!p0 $0x1082;
	s9 =	sld [smem:$0x3FAE]  }
0x2f: {  	lr =	sadd.s32 s0, s3;
	s0 =	sld [smem:$0x3FA5]  }
0x30: {  	s3 =	sld [smem:$0x3FA8]  }
0x31: {  	[smem:$0x3FB1] =	sst s10  }
0x32: {  	s10 =	sld [smem:$0x3FAF];
	_ =	sdelay $0x3  }
0x33: {  	p0 =	seq.s32 s10, $0x1;
	s10 =	sld [smem:$0x3FB1];
	_ =	sdelay $0x3  }
0x34: {  	[smem:$0x3FB1] =	sst s10  }
0x35: {  	s10 =	sld [smem:$0x3FB0];
	_ =	sdelay $0x3  }
0x36: {  	p1 =	seq.s32 s10, $0x1;
	s10 =	sld [smem:$0x3FB1];
	_ =	sdelay $0x3  }
0x37: {  	[smem:$0x3FB1] =	sst s10  }
0x38: {  	s10 =	sld [smem:$0x3FB2]  }
0x39: {  	_ = 	snop;
	(pc) =	sbr.ind lr, $3  }
0x3a: {  	_ = 	snop  }
0x3b: {  	_ = 	snop  }
0x3c: {  	p2 =	seq.s32 s10, $0x1;
	s10 =	sld [smem:$0x3FB1]  }
0x3d: {  	_ =	shalt  }
0x3e: {  	_ =	shalt  }
0x3f: {  	_ =	shalt  }
0x40: {  	_ =	shalt  }
0x41: {  	_ =	shalt  }
0x42: {  	_ =	shalt  }
0x43: {  	_ =	shalt  }
0x44: {  	_ =	shalt  }
0x45: {  	_ =	shalt  }
0x46: {  	_ =	shalt  }
0x47: {  	_ =	shalt  }
0x48: {  	_ =	shalt  }
0x49: {  	_ =	shalt  }
0x4a: {  	_ =	shalt  }
0x4b: {  	_ =	shalt  }
0x4c: {  	_ =	shalt  }
0x4d: {  	_ =	shalt  }
0x4e: {  	_ =	shalt  }
0x4f: {  	_ =	shalt  }
0x50: {  	_ =	shalt  }
0x51: {  	_ =	shalt  }
0x52: {  	_ =	shalt  }
0x53: {  	_ =	shalt  }
0x54: {  	_ =	shalt  }
0x55: {  	_ =	shalt  }
0x56: {  	_ =	shalt  }
0x57: {  	_ =	shalt  }
0x58: {  	_ =	shalt  }
0x59: {  	_ =	shalt  }
0x5a: {  	_ =	shalt  }
0x5b: {  	_ =	shalt  }
0x5c: {  	_ =	shalt  }
0x5d: {  	_ =	shalt  }
0x5e: {  	_ =	shalt  }
0x5f: {  	_ =	shalt  }
0x60: {  	_ =	shalt  }
0x61: {  	_ =	shalt  }
0x62: {  	_ =	shalt  }
0x63: {  	_ =	shalt  }
0x64: {  	_ =	shalt  }
0x65: {  	_ =	shalt  }
0x66: {  	_ =	shalt  }
0x67: {  	_ =	shalt  }
0x68: {  	_ =	shalt  }
0x69: {  	_ =	shalt  }
0x6a: {  	_ =	shalt  }
0x6b: {  	_ =	shalt  }
0x6c: {  	_ =	shalt  }
0x6d: {  	_ =	shalt  }
0x6e: {  	_ =	shalt  }
0x6f: {  	_ =	shalt  }
0x70: {  	_ =	shalt  }
0x71: {  	_ =	shalt  }
0x72: {  	_ =	shalt  }
0x73: {  	_ =	shalt  }
0x74: {  	_ =	shalt  }
0x75: {  	_ =	shalt  }
0x76: {  	_ =	shalt  }
0x77: {  	_ =	shalt  }
0x78: {  	_ =	shalt  }
0x79: {  	_ =	shalt  }
0x7a: {  	_ =	shalt  }
0x7b: {  	_ =	shalt  }
0x7c: {  	_ =	shalt  }
0x7d: {  	_ =	shalt  }
0x7e: {  	_ =	shalt  }
0x7f: {  	_ =	shalt  }
0x80: {  	_ =	shalt  }
0x81: {  	_ =	shalt  }
0x82: {  	_ =	shalt  }
0x83: {  	_ =	shalt  }
0x84: {  	_ =	shalt  }
0x85: {  	_ =	shalt  }
0x86: {  	_ =	shalt  }
0x87: {  	_ =	shalt  }
.Lfunc_end0:
.L_simem_size_0:
called_computation.2_lowered:
.L_overlay_start_0:
0x88: {  	s2 =	sld [smem:$0x3FD9]  }
0x89: {  	s3 =	sld [smem:$0x3FFE];
	_ =	sdelay $0x1  }
0x8a: {  	s1 =	srdreg.scid  }
0x8b: {  	s0 =	sand.u32 $0x1, s1  }
0x8c: {  	s16 =	sshll.u32 s0, $0xA;
	s2 =	sadd.s32 s3, s2  }
0x8d: {  	s2 =	sadd.s32 s2, s16  }
0x8e: {  	[smem:$0x3FBD] =	sst s2  }
0x8f: {  	_ = 	snop  }
0x90: {  	(tm) =	ssettm $0x1  }
0x91: {  	s17 =	sld [smem:$0x3FFB];
	_ =	sdelay $0x3  }
0x92: {  	_ =	strace s17  }
0x93: {  	s2 =	sld [smem:$0x3FFC];
	_ =	sdelay $0x3  }
0x94: {  	_ =	strace s2  }
0x95: {  	s2 =	sld [smem:$0x3FFD];
	_ =	sdelay $0x3  }
0x96: {  	_ =	strace s2  }
0x97: {  	_ =	strace $0x8FFFFFFF  }
0x98: {  	s18 =	sld [smem:$0x3FDB];
	_ =	sdelay $0x1  }
0x99: {  	s19 =	simm.s32 $_scs_section_size  }
0x9a: {  	s4 =	simm.s32 $_size__tile_overlayer_lowered;
	s5 =	simm.s32 $_tile_overlayer_lowered  }
0x9b: {  	s22 =	simm.s32 $0x1BFF;
	s21 =	sshll.u32 s5, $0x1;
	s2 =	sadd.s32 s19, s18  }
0x9c: {  	s6 =	simm.s32 $0x0;
	s20 =	sshll.u32 s4, $0x1;
	s4 =	sadd.s32 s21, s2  }
0x9d: {  	[timem:s6], [sflag:s22] =	dma.local [hbm:s4], s20  }
0x9e: {  	_ =	swait.ge [sflag:s22], s20  }
0x9f: {  	s3 =	ssub.s32 $0x0, s20;
	[sflag:s22] =	ssyncset.done $0x0  }
0xa0: {  	[sflag:s22] =	ssyncadd.s32 s3;
	_ =	sdelay $0x1  }
0xa1: {  	s23 =	simm.s32 $0x1B8B  }
0xa2: {  	_ =	swait.ge [sflag:s23], $0x1  }
0xa3: {  	[sflag:s23] =	ssyncset.done $0x0  }
0xa4: {  	s25 =	simm.s32 $0x1B8E;
	s24 =	sld [smem:$0x3FFE];
	[sflag:s23] =	ssyncadd.s32 $0xFFFFFFFF  }
0xa5: {  	s26 =	simm.s32 $execute0_lowered;
	[smem:$0x3FD2] =	sst s25  }
0xa6: {  	s4 =	sshll.u32 s26, $0x1;
	_ =	strace $0x8000004C;
	[dreg:$0x1] =	wrdreg $0xFFFFFFFF  }
0xa7: {  	s28 =	simm.s32 $_size_execute0_lowered;
	s2 =	sadd.s32 s2, s4;
	[dreg:$0x0] =	wrdreg $0x0  }
0xa8: {  	s4 =	sshll.u32 s28, $0x1;
	[dreg:$0x2] =	wrdreg s2  }
0xa9: {  	[dreg:$0x3] =	wrdreg s4  }
0xaa: {  	[dreg:$0x4] =	wrdreg $0xC0  }
0xab: {  	_ =	task [dreg:s6], $0x5FFFF  }
0xac: {  	[dreg:$0x1] =	wrdreg $0xFFFFFFFF  }
0xad: {  	[dreg:$0x0] =	wrdreg $0x60  }
0xae: {  	[dreg:$0x2] =	wrdreg s24  }
0xaf: {  	[dreg:$0x3] =	wrdreg $0x70000  }
0xb0: {  	[dreg:$0x4] =	wrdreg $0x9  }
0xb1: {  	_ =	task.clear_ibuf [dreg:s6], $0x5FFFF;
	_ =	strace $0x9000004C  }
0xb2: {  	s29 =	simm.s32 $0x9;
	_ =	strace $0x8000004E  }
0xb3: {  	_ =	swait.ge [sflag:s29], $0x1  }
0xb4: {  	[sflag:s29] =	ssyncadd.s32 $0xFFFFFFFF  }
0xb5: {  	_ =	strace $0x9000004E  }
0xb6: {  	_ =	sfence  }
0xb7: {  	s30 =	sld [smem:$0x0];
	_ =	sdelay $0x2  }
0xb8: {  	s31 =	sshll.u32 s1, $0xD;
	s1 =	sshrl.u32 s1, $0x2  }
0xb9: {  	s3 =	sand.u32 $0x4000, s31;
	s1 =	sadd.s32 s1, s30  }
0xba: {  	s0 =	sor.u32 s3, s0;
	s1 =	sshll.u32 s1, $0x11  }
0xbb: {  	s0 =	sor.u32 s1, s0  }
0xbc: {  	s0 =	sadd.s32 $0x8F2B, s0  }
0xbd: {  	[sflag:s0] =	ssyncadd.remote.s32 $0x1  }
0xbe: {  	_ =	sfence.sel $0xFFFF  }
0xbf: {  	[dreg:$0x0] =	wrdreg $0xFFFFFFFF;
	(pc) =	sbr.abs _section_cstart, $3  }
0xc0: {  	[dreg:$0x1] =	wrdreg $0xFFFFFFFF  }
0xc1: {  	_ =	task.clear_ibuf [dreg:s6], $0x2FFFF;
	_ =	strace $0x9FFFFFFF  }
0xc2: {  	(tm) =	ssettm $0x7FFFFFFF  }
0xc3: {  	_ =	shalt  }
tec
execute0_lowered:
.L_overlay_start_1:
0x0: {  	(tag) =	ssettag $0x1  }
0x1: {  	s6 =	rddreg [dreg:$0x0]  }
0x2: {  	s0 =	srdreg.scid;
	s2 =	rddreg [dreg:$0x1]  }
0x3: {  	s3 =	simm.s32 $0x0;
	s14 =	simm.s32 $0x80;
	s15 =	simm.s32 $0x5000  }
0x4: {  	s16 =	simm.s32 $0x1;
	s5 =	sand.u32 $0x1, s0;
	s0 =	stileid.u32  }
0x5: {  	s17 =	simm.s32 $0x0;
	[smem:$0x7FF] =	sst s3;
	s8 =	smul.u32 $0x9E00, s0  }
0x6: {  	s4 =	sadd.s32 $0x6FE00, s6;
	s1 =	sshll.u32 s5, $0x4;
	s9 =	smul.u32 $0x9E000, s5  }
0x7: {  	s5 =	ssub.s32 $0x2, s5;
	s31 =	sshll.u32 s0, $0x6;
	s1 =	sor.u32 s0, s1  }
0x8: {  	s11 =	sshrl.u32 s5, $0x1;
	s7 =	smul.u32 $0x500, s1;
	s1 =	rddreg [dreg:$0x2]  }
0x9: {  	_ =	strace $0x8000004D;
	s29 =	sadd.s32 s8, s9;
	s30 =	sshrl.u32 s8, $0x3  }
0xa: {  	s11 =	ssub.s32 s5, s11;
	s13 =	sadd.s32 s8, s2;
	s9 =	sadd.s32 s30, s6  }
0xb: {  	s10 =	sadd.s32 s7, s6;
	s7 =	sshrl.u32 s29, $0x3;
	s5 =	sadd.s32 $0x83A00, s9  }
0xc: {  	s12 =	sadd.s32 s7, s6;
	s6 =	sor.u32 $0x1C02, s31;
	s7 =	sadd.s32 $0x16E00, s10  }
0xd: {  	s8 =	sadd.s32 $0x3000, s10;
	s10 =	smax.u32 s11, $0x1;
	s11 =	sshrl.u32 s13, $0x3  }
0xe: {  	s13 =	simm.s32 $0x2800;
	s9 =	sadd.s32 $0xBEE00, s12;
	s12 =	simm.s32 $0x2  }
.LBB2_1:
0xf: {  	[spmem:s11], [sflag:s6] =	dma.local [hbm:s5], $0x13C0  }
0x10: {  	_ =	swait.ge [sflag:s12], $0x13C0  }
0x11: {  	[sflag:s12] =	ssyncset.done $0x0  }
0x12: {  	[sflag:s12] =	ssyncadd.s32 $0xFFFFEC40  }
0x13: {  	[tilespmem:s3], [sflag:$0x2] =	stream.linear.gather [hbm4b:s7+s3], $0x2800, $0x38;
	[tilespmem:$0x10E00] =	vst v63  }
0x14: {  	_ =	swait.ge [sflag:s12], $0x2800  }
0x15: {  	[sflag:s12] =	ssyncset.done $0x0  }
0x16: {  	[sflag:s12] =	ssyncadd.s32 $0xFFFFD800  }
0x17: {  	[tilespmem:s13], [sflag:$0x2] =	stream.linear.gather [hbm4b:s8+s3], $0x2800, $0x38;
	[tilespmem:$0x10E00] =	vst v63  }
0x18: {  	_ =	swait.ge [sflag:s12], $0x2800  }
0x19: {  	[sflag:s12] =	ssyncset.done $0x0  }
0x1a: {  	[sflag:s12] =	ssyncadd.s32 $0xFFFFD800  }
0x1b: {  	s18 =	simm.s32 $0x0;
	[bflag:$0x0] =	sbarrier.arrive $0xFFFF  }
0x1c: {  	[tilespmem:s15], [sflag:$0x1] =	stream.indirect.gather [hbm4b:s4+s14], $0x40, s18, s14, $0xb8;
	[tilespmem:$0x10E00] =	vst v63  }
0x1d: {  	_ =	swait.ge [sflag:s16], $0x2000  }
0x1e: {  	[sflag:s16] =	ssyncset.done $0x0  }
0x1f: {  	s31 =	simm.s32 $0x2800;
	[sflag:s16] =	ssyncadd.s32 $0xFFFFE000  }
0x20: {  	[spmem:s2] =	stream.indirect.scatter.add.f32 [tilespmem:s15], [sflag:$0x2], $0x40, s31, s14, $0xb8;
	[tilespmem:$0x10E00] =	vst v63  }
0x21: {  	_ =	swait.ge [sflag:s12], $0x2000  }
0x22: {  	s19 =	simm.s32 $0x400;
	s18 =	simm.s32 $0x200;
	[sflag:s12] =	ssyncset.done $0x0  }
.LBB2_2:
0x23: {  	s20 =	sshra.s32 s18, $0x2  }
0x24: {  	[sflag:s12] =	ssyncadd.s32 $0xFFFFE000;
	s18 =	smov.u32 s19;
	s21 =	sadd.s32 $0x200, s19  }
0x25: {  	[tilespmem:s15], [sflag:$0x1] =	stream.indirect.gather [hbm4b:s4+s14], $0x40, s20, s14, $0xb8;
	[tilespmem:$0x10E00] =	vst v63  }
0x26: {  	p0 =	sne.s32 s19, $0x9E00;
	_ =	swait.ge [sflag:s16], $0x2000  }
.Ltmp0:
0x27: {  	[sflag:s16] =	ssyncset.done $0x0;
	(pc) =	sbr.rel @p0 .LBB2_2-.Ltmp0, $4  }
0x28: {  	s19 =	sadd.s32 $0x2800, s20;
	[sflag:s16] =	ssyncadd.s32 $0xFFFFE000  }
0x29: {  	[spmem:s2] =	stream.indirect.scatter.add.f32 [tilespmem:s15], [sflag:$0x2], $0x40, s19, s14, $0xb8;
	[tilespmem:$0x10E00] =	vst v63  }
0x2a: {  	_ =	swait.ge [sflag:s12], $0x2000  }
0x2b: {  	s19 =	smov.u32 s21;
	[sflag:s12] =	ssyncset.done $0x0  }
0x2c: {  	s18 =	sshra.s32 s18, $0x2;
	[sflag:s12] =	ssyncadd.s32 $0xFFFFE000  }
0x2d: {  	[tilespmem:s15], [sflag:$0x1] =	stream.indirect.gather [hbm4b:s4+s14], $0x40, s18, s14, $0xb8;
	[tilespmem:$0x10E00] =	vst v63  }
0x2e: {  	_ =	swait.ge [sflag:s16], $0x2000  }
0x2f: {  	[sflag:s16] =	ssyncset.done $0x0  }
0x30: {  	s18 =	sadd.s32 $0x2800, s18;
	[sflag:s16] =	ssyncadd.s32 $0xFFFFE000  }
0x31: {  	[spmem:s2] =	stream.indirect.scatter.add.f32 [tilespmem:s15], [sflag:$0x2], $0x40, s18, s14, $0xb8;
	[tilespmem:$0x10E00] =	vst v63  }
0x32: {  	_ =	swait.ge [sflag:s12], $0x2000  }
0x33: {  	s17 =	sadd.s32 $0x1, s17;
	[sflag:s12] =	ssyncset.done $0x0  }
0x34: {  	p0 =	sne.s32 s17, s10;
	[sflag:s12] =	ssyncadd.s32 $0xFFFFE000  }
.Ltmp1:
0x35: {  	[bflag:$0x0] =	sbarrier.arrive $0xFFFF;
	(pc) =	sbr.rel @p0 .LBB2_1-.Ltmp1, $4  }
0x36: {  	[hbm:s9], [sflag:s6] =	dma.local [spmem:s11], $0x13C0  }
0x37: {  	_ =	swait.ge [sflag:s12], $0x13C0  }
0x38: {  	[sflag:s12] =	ssyncset.done $0x0  }
0x39: {  	[sflag:s12] =	ssyncadd.s32 $0xFFFFEC40  }
0x3a: {  	_ =	sfence.sel $0x180000  }
0x3b: {  	[bflag:$0x0] =	sbarrier.arrive $0xFFFF  }
0x3c: {  	p0 =	sne.s32 s0, $0x0;
	_ =	strace $0x9000004D  }
0x3d: {  	s0 =	sadd.s32 @!p0 $0x100000, s1;
	[bflag:$0x2] =	sbarrier.arrive $0xFFFF  }
0x3e: {  	[sflag:s0] =	ssyncadd.tile.s32 @!p0 $0x1;
	_ =	shalt  }
.Lfunc_end2:
_tile_overlayer_lowered:
.L_overlay_start_2:
0x3f: {  	(tag) =	ssettag $0x2  }
0x40: {  	s0 =	rddreg [dreg:$0x0];
	s2 =	stileid.u32  }
0x41: {  	s1 =	rddreg [dreg:$0x1];
	p0 =	sne.s32 s2, $0x0  }
0x42: {  	s3 =	rddreg [dreg:$0x2];
	[bflag:$0x3] =	sbarrier.arrive $0xFFFF;
	s2 =	simm.s32 @!p0 $0x1C02  }
0x43: {  	[timem:s3], [sflag:s2] =	dma.local @!p0 [hbm:s0], s1  }
0x44: {  	s0 =	simm.s32 @!p0 $0x2  }
0x45: {  	_ =	swait.ge @!p0 [sflag:s0], s1  }
0x46: {  	s1 =	ssub.s32 @!p0 $0x0, s1;
	[sflag:s0] =	ssyncset.done @!p0 $0x0  }
0x47: {  	[sflag:s0] =	ssyncadd.s32 @!p0 s1  }
0x48: {  	[bflag:$0x3] =	sbarrier.arrive $0xFFFF  }
0x49: {  	_ =	shalt  }

// kernel: kernel.19.cloned.1.call-start
scs
__scs_entry_jumppad:
0x0: {  	(pc) =	sbr.rel $0x88, $3  }
0x1: {  	(tag) =	ssettag $0x0;
	lr =	simm.s32 $0x1  }
0x2: {  	[smem:$0x3F96] =	sst lr;
	_ =	strace $0xD0000000  }
0x3: {  	_ = 	snop  }
0x4: {  	_ = 	snop  }
0x5: {  	_ = 	snop  }
0x6: {  	_ = 	snop  }
0x7: {  	_ = 	snop  }
__scs_overlays_trampoline_lowered:
0x8: {  	[smem:$0x3FA5] =	sst s0  }
0x9: {  	[smem:$0x3FA6] =	sst s1  }
0xa: {  	[smem:$0x3FA7] =	sst s2  }
0xb: {  	[smem:$0x3FA8] =	sst s3  }
0xc: {  	[smem:$0x3FA9] =	sst s4  }
0xd: {  	[smem:$0x3FAA] =	sst s5  }
0xe: {  	[smem:$0x3FAB] =	sst s6  }
0xf: {  	[smem:$0x3FAC] =	sst s7  }
0x10: {  	[smem:$0x3FAD] =	sst s8  }
0x11: {  	[smem:$0x3FAE] =	sst s9;
	s0 =	simm.s32 @!p0 $0x0  }
0x12: {  	s1 =	sld [smem:$0x3F94];
	s0 =	simm.s32 @p0 $0x1  }
0x13: {  	[smem:$0x3FAF] =	sst s0;
	s0 =	simm.s32 @!p1 $0x0  }
0x14: {  	s2 =	sld [smem:$0x3F93];
	s0 =	simm.s32 @p1 $0x1  }
0x15: {  	[smem:$0x3FB0] =	sst s0;
	s0 =	simm.s32 @!p2 $0x0  }
0x16: {  	s3 =	sld [smem:$0x3FDB];
	s0 =	simm.s32 @p2 $0x1  }
0x17: {  	s4 =	simm.s32 $0x1BF5;
	[smem:$0x3FB2] =	sst s0  }
0x18: {  	s0 =	sld [smem:$0x3F95];
	_ =	swait.ge [sflag:s4], $0x0  }
0x19: {  	s7 =	sld [smem:$0x3F96]  }
0x1a: {  	s8 =	sadd.s32 $0xFFFFE003, lr  }
0x1b: {  	s9 =	sadd.s32 $0xFFFFFEF7, lr;
	s5 =	simm.s32 $0xFFFFFFFF;
	p2 =	slt.u32 s8, $0xFFFFF086  }
0x1c: {  	p1 =	slt.u32 s9, $0xF7A;
	s5 =	simm.s32 @!p2 $0x0  }
0x1d: {  	s5 =	simm.s32 @p1 $0x1;
	p0 =	seq.s32 s7, s2  }
0x1e: {  	s7 =	smul.u32 @!p0 $0xF7A, s2;
	p2 =	seq.s32 @!p0 s5, $0x0  }
0x1f: {  	s9 =	smul.u32 $0xF7A, s1;
	s8 =	simm.s32 @!p0 $0x1BF5;
	p2 =	por !p2, p0  }
0x20: {  	[sflag:s8] =	ssyncset.s32 @!p0 $0xFFFFF086;
	s6 =	sadd.s32 @!p0 s3, s7;
	s7 =	simm.s32 @!p0 $0x108  }
0x21: {  	s3 =	sadd.s32 s3, s9;
	s6 =	sadd.s32 @!p0 $0x88, s6;
	s7 =	simm.s32 @p2 $0x1082  }
0x22: {  	[simem:s7], [sflag:s8] =	dma.local @!p0 [hbm:s6], $0xF7A  }
0x23: {  	s9 =	sor.u32 $0xD0000000, s2;
	s6 =	simm.s32 $0x108;
	_ =	swait.ge @!p0 [sflag:s8], $0x0  }
0x24: {  	s3 =	sadd.s32 $0x88, s3;
	s6 =	simm.s32 @!p1 $0x1082;
	[sflag:s4] =	ssyncset.s32 $0xFFFFF086  }
0x25: {  	[simem:s6], [sflag:s4] =	dma.local [hbm:s3], $0xF7A  }
0x26: {  	[smem:$0x3F96] =	sst s1;
	(tag) =	ssettag s2;
	_ =	strace s9  }
0x27: {  	s1 =	sld [smem:$0x3FA6]  }
0x28: {  	s2 =	sld [smem:$0x3FA7]  }
0x29: {  	s4 =	sld [smem:$0x3FA9]  }
0x2a: {  	p0 =	seq.s32 s5, $0x0;
	s5 =	sld [smem:$0x3FAA]  }
0x2b: {  	s6 =	sld [smem:$0x3FAB]  }
0x2c: {  	s7 =	sld [smem:$0x3FAC]  }
0x2d: {  	s3 =	simm.s32 $0x108;
	s8 =	sld [smem:$0x3FAD]  }
0x2e: {  	s3 =	simm.s32 @!p0 $0x1082;
	s9 =	sld [smem:$0x3FAE]  }
0x2f: {  	lr =	sadd.s32 s0, s3;
	s0 =	sld [smem:$0x3FA5]  }
0x30: {  	s3 =	sld [smem:$0x3FA8]  }
0x31: {  	[smem:$0x3FB1] =	sst s10  }
0x32: {  	s10 =	sld [smem:$0x3FAF];
	_ =	sdelay $0x3  }
0x33: {  	p0 =	seq.s32 s10, $0x1;
	s10 =	sld [smem:$0x3FB1];
	_ =	sdelay $0x3  }
0x34: {  	[smem:$0x3FB1] =	sst s10  }
0x35: {  	s10 =	sld [smem:$0x3FB0];
	_ =	sdelay $0x3  }
0x36: {  	p1 =	seq.s32 s10, $0x1;
	s10 =	sld [smem:$0x3FB1];
	_ =	sdelay $0x3  }
0x37: {  	[smem:$0x3FB1] =	sst s10  }
0x38: {  	s10 =	sld [smem:$0x3FB2]  }
0x39: {  	_ = 	snop;
	(pc) =	sbr.ind lr, $3  }
0x3a: {  	_ = 	snop  }
0x3b: {  	_ = 	snop  }
0x3c: {  	p2 =	seq.s32 s10, $0x1;
	s10 =	sld [smem:$0x3FB1]  }
0x3d: {  	_ =	shalt  }
0x3e: {  	_ =	shalt  }
0x3f: {  	_ =	shalt  }
0x40: {  	_ =	shalt  }
0x41: {  	_ =	shalt  }
0x42: {  	_ =	shalt  }
0x43: {  	_ =	shalt  }
0x44: {  	_ =	shalt  }
0x45: {  	_ =	shalt  }
0x46: {  	_ =	shalt  }
0x47: {  	_ =	shalt  }
0x48: {  	_ =	shalt  }
0x49: {  	_ =	shalt  }
0x4a: {  	_ =	shalt  }
0x4b: {  	_ =	shalt  }
0x4c: {  	_ =	shalt  }
0x4d: {  	_ =	shalt  }
0x4e: {  	_ =	shalt  }
0x4f: {  	_ =	shalt  }
0x50: {  	_ =	shalt  }
0x51: {  	_ =	shalt  }
0x52: {  	_ =	shalt  }
0x53: {  	_ =	shalt  }
0x54: {  	_ =	shalt  }
0x55: {  	_ =	shalt  }
0x56: {  	_ =	shalt  }
0x57: {  	_ =	shalt  }
0x58: {  	_ =	shalt  }
0x59: {  	_ =	shalt  }
0x5a: {  	_ =	shalt  }
0x5b: {  	_ =	shalt  }
0x5c: {  	_ =	shalt  }
0x5d: {  	_ =	shalt  }
0x5e: {  	_ =	shalt  }
0x5f: {  	_ =	shalt  }
0x60: {  	_ =	shalt  }
0x61: {  	_ =	shalt  }
0x62: {  	_ =	shalt  }
0x63: {  	_ =	shalt  }
0x64: {  	_ =	shalt  }
0x65: {  	_ =	shalt  }
0x66: {  	_ =	shalt  }
0x67: {  	_ =	shalt  }
0x68: {  	_ =	shalt  }
0x69: {  	_ =	shalt  }
0x6a: {  	_ =	shalt  }
0x6b: {  	_ =	shalt  }
0x6c: {  	_ =	shalt  }
0x6d: {  	_ =	shalt  }
0x6e: {  	_ =	shalt  }
0x6f: {  	_ =	shalt  }
0x70: {  	_ =	shalt  }
0x71: {  	_ =	shalt  }
0x72: {  	_ =	shalt  }
0x73: {  	_ =	shalt  }
0x74: {  	_ =	shalt  }
0x75: {  	_ =	shalt  }
0x76: {  	_ =	shalt  }
0x77: {  	_ =	shalt  }
0x78: {  	_ =	shalt  }
0x79: {  	_ =	shalt  }
0x7a: {  	_ =	shalt  }
0x7b: {  	_ =	shalt  }
0x7c: {  	_ =	shalt  }
0x7d: {  	_ =	shalt  }
0x7e: {  	_ =	shalt  }
0x7f: {  	_ =	shalt  }
0x80: {  	_ =	shalt  }
0x81: {  	_ =	shalt  }
0x82: {  	_ =	shalt  }
0x83: {  	_ =	shalt  }
0x84: {  	_ =	shalt  }
0x85: {  	_ =	shalt  }
0x86: {  	_ =	shalt  }
0x87: {  	_ =	shalt  }
.Lfunc_end0:
.L_simem_size_0:
called_computation.3_lowered:
.L_overlay_start_0:
0x88: {  	s2 =	sld [smem:$0x3FD9]  }
0x89: {  	s3 =	sld [smem:$0x3FFE];
	_ =	sdelay $0x1  }
0x8a: {  	s1 =	srdreg.scid  }
0x8b: {  	s0 =	sand.u32 $0x1, s1  }
0x8c: {  	s16 =	sshll.u32 s0, $0xA;
	s2 =	sadd.s32 s3, s2  }
0x8d: {  	s2 =	sadd.s32 s2, s16  }
0x8e: {  	[smem:$0x3FBD] =	sst s2  }
0x8f: {  	_ = 	snop  }
0x90: {  	(tm) =	ssettm $0x1  }
0x91: {  	s17 =	sld [smem:$0x3FFB];
	_ =	sdelay $0x3  }
0x92: {  	_ =	strace s17  }
0x93: {  	s2 =	sld [smem:$0x3FFC];
	_ =	sdelay $0x3  }
0x94: {  	_ =	strace s2  }
0x95: {  	s2 =	sld [smem:$0x3FFD];
	_ =	sdelay $0x3  }
0x96: {  	_ =	strace s2  }
0x97: {  	_ =	strace $0x8FFFFFFF  }
0x98: {  	s18 =	sld [smem:$0x3FDB];
	_ =	sdelay $0x1  }
0x99: {  	s19 =	simm.s32 $_scs_section_size  }
0x9a: {  	s4 =	simm.s32 $_size__tile_overlayer_lowered;
	s5 =	simm.s32 $_tile_overlayer_lowered  }
0x9b: {  	s22 =	simm.s32 $0x1BFF;
	s21 =	sshll.u32 s5, $0x1;
	s2 =	sadd.s32 s19, s18  }
0x9c: {  	s6 =	simm.s32 $0x0;
	s20 =	sshll.u32 s4, $0x1;
	s4 =	sadd.s32 s21, s2  }
0x9d: {  	[timem:s6], [sflag:s22] =	dma.local [hbm:s4], s20  }
0x9e: {  	_ =	swait.ge [sflag:s22], s20  }
0x9f: {  	s3 =	ssub.s32 $0x0, s20;
	[sflag:s22] =	ssyncset.done $0x0  }
0xa0: {  	[sflag:s22] =	ssyncadd.s32 s3;
	_ =	sdelay $0x1  }
0xa1: {  	s23 =	simm.s32 $0x1B8B  }
0xa2: {  	_ =	swait.ge [sflag:s23], $0x1  }
0xa3: {  	[sflag:s23] =	ssyncset.done $0x0  }
0xa4: {  	s25 =	simm.s32 $0x1B8E;
	s24 =	sld [smem:$0x3FFE];
	[sflag:s23] =	ssyncadd.s32 $0xFFFFFFFF  }
0xa5: {  	s26 =	simm.s32 $execute0_lowered;
	[smem:$0x3FD2] =	sst s25  }
0xa6: {  	s4 =	sshll.u32 s26, $0x1;
	_ =	strace $0x8000004F;
	[dreg:$0x1] =	wrdreg $0xFFFFFFFF  }
0xa7: {  	s28 =	simm.s32 $_size_execute0_lowered;
	s2 =	sadd.s32 s2, s4;
	[dreg:$0x0] =	wrdreg $0x0  }
0xa8: {  	s4 =	sshll.u32 s28, $0x1;
	[dreg:$0x2] =	wrdreg s2  }
0xa9: {  	[dreg:$0x3] =	wrdreg s4  }
0xaa: {  	[dreg:$0x4] =	wrdreg $0xC0  }
0xab: {  	_ =	task [dreg:s6], $0x5FFFF  }
0xac: {  	[dreg:$0x1] =	wrdreg $0xFFFFFFFF  }
0xad: {  	[dreg:$0x0] =	wrdreg $0x60  }
0xae: {  	[dreg:$0x2] =	wrdreg s24  }
0xaf: {  	[dreg:$0x3] =	wrdreg $0x9  }
0xb0: {  	_ =	task.clear_ibuf [dreg:s6], $0x4FFFF;
	_ =	strace $0x9000004F  }
0xb1: {  	s29 =	simm.s32 $0x9;
	_ =	strace $0x80000051  }
0xb2: {  	_ =	swait.ge [sflag:s29], $0x1  }
0xb3: {  	[sflag:s29] =	ssyncadd.s32 $0xFFFFFFFF  }
0xb4: {  	_ =	strace $0x90000051  }
0xb5: {  	_ =	sfence  }
0xb6: {  	s30 =	sld [smem:$0x0];
	_ =	sdelay $0x2  }
0xb7: {  	s31 =	sshll.u32 s1, $0xD;
	s1 =	sshrl.u32 s1, $0x2  }
0xb8: {  	s3 =	sand.u32 $0x4000, s31;
	s1 =	sadd.s32 s1, s30  }
0xb9: {  	s0 =	sor.u32 s3, s0;
	s1 =	sshll.u32 s1, $0x11  }
0xba: {  	s0 =	sor.u32 s1, s0  }
0xbb: {  	s0 =	sadd.s32 $0x8F2B, s0  }
0xbc: {  	[sflag:s0] =	ssyncadd.remote.s32 $0x1  }
0xbd: {  	_ =	sfence.sel $0xFFFF  }
0xbe: {  	[dreg:$0x0] =	wrdreg $0xFFFFFFFF;
	(pc) =	sbr.abs _section_cstart, $3  }
0xbf: {  	[dreg:$0x1] =	wrdreg $0xFFFFFFFF  }
0xc0: {  	_ =	task.clear_ibuf [dreg:s6], $0x2FFFF;
	_ =	strace $0x9FFFFFFF  }
0xc1: {  	(tm) =	ssettm $0x7FFFFFFF  }
tec
execute0_lowered:
.L_overlay_start_1:
0x0: {  	(tag) =	ssettag $0x1  }
0x1: {  	s0 =	srdreg.scid  }
0x2: {  	s7 =	rddreg [dreg:$0x0];
	s1 =	stileid.u32  }
0x3: {  	s2 =	simm.s32 $0x0;
	s10 =	simm.s32 $0x3;
	s11 =	simm.s32 $0x2800  }
0x4: {  	s12 =	simm.s32 $0x80;
	s13 =	simm.s32 $0x5000;
	s6 =	sand.u32 $0x1, s0  }
0x5: {  	s14 =	simm.s32 $0x7000;
	s15 =	simm.s32 $0x1;
	s3 =	sshll.u32 s6, $0x4  }
0x6: {  	s16 =	simm.s32 $0x2;
	s0 =	rddreg [dreg:$0x1];
	s3 =	sor.u32 s1, s3  }
0x7: {  	s17 =	simm.s32 $0x0;
	[smem:$0x7FF] =	sst s2;
	s3 =	smul.u32 $0x2800, s3  }
0x8: {  	s4 =	sadd.s32 $0x34A00, s7;
	s5 =	sadd.s32 $0x20E00, s7;
	s9 =	ssub.s32 $0x2, s6  }
0x9: {  	_ =	strace $0x80000050;
	s31 =	sshrl.u32 s9, $0x1;
	s8 =	sshrl.u32 s3, $0x3  }
0xa: {  	s6 =	sadd.s32 $0x48600, s7;
	s9 =	ssub.s32 s9, s31;
	s8 =	sadd.s32 s8, s7  }
0xb: {  	s9 =	smax.u32 s9, $0x1;
	s7 =	sadd.s32 $0x16E00, s8;
	s8 =	sadd.s32 $0x3000, s8  }
.LBB2_1:
0xc: {  	[tilespmem:s2], [sflag:$0x3] =	stream.linear.gather [hbm4b:s7+s2], $0x2800, $0x38;
	[tilespmem:$0x9000] =	vst v63  }
0xd: {  	_ =	swait.ge [sflag:s10], $0x2800  }
0xe: {  	[sflag:s10] =	ssyncset.done $0x0  }
0xf: {  	[sflag:s10] =	ssyncadd.s32 $0xFFFFD800  }
0x10: {  	[tilespmem:s11], [sflag:$0x3] =	stream.linear.gather [hbm4b:s8+s2], $0x2800, $0x38;
	[tilespmem:$0x9000] =	vst v63  }
0x11: {  	_ =	swait.ge [sflag:s10], $0x2800  }
0x12: {  	[sflag:s10] =	ssyncset.done $0x0  }
0x13: {  	s18 =	simm.s32 $0x0;
	[sflag:s10] =	ssyncadd.s32 $0xFFFFD800  }
.LBB2_2:
0x14: {  	s19 =	sshll.u32 s18, $0x7  }
0x15: {  	[tilespmem:s13], [sflag:$0x1] =	stream.indirect.gather [hbm4b:s4+s12], $0x40, s19, s12, $0xb8;
	[tilespmem:$0x9000] =	vst v63  }
0x16: {  	s20 =	sadd.s32 $0x2800, s19  }
0x17: {  	[tilespmem:s14], [sflag:$0x2] =	stream.indirect.gather [hbm4b:s5+s12], $0x40, s20, s12, $0xb8;
	[tilespmem:$0x9000] =	vst v63  }
0x18: {  	_ =	swait.ge [sflag:s15], $0x2000  }
0x19: {  	[sflag:s15] =	ssyncset.done $0x0  }
0x1a: {  	[sflag:s15] =	ssyncadd.s32 $0xFFFFE000  }
0x1b: {  	_ =	swait.ge [sflag:s16], $0x2000  }
0x1c: {  	[sflag:s16] =	ssyncset.done $0x0  }
0x1d: {  	s20 =	simm.s32 $0x0;
	[sflag:s16] =	ssyncadd.s32 $0xFFFFE000  }
0x1e: {  	v5 =	vld [tilespmem:s20+$0x7000]  }
0x1f: {  	v6 =	vld [tilespmem:s20+$0x7010]  }
0x20: {  	v1 =	vld [tilespmem:s20+$0x7020]  }
0x21: {  	v0 =	vld [tilespmem:s20+$0x7030]  }
0x22: {  	v2 =	vld [tilespmem:s20+$0x5000]  }
0x23: {  	v4 =	vld [tilespmem:s20+$0x5010]  }
0x24: {  	s21 =	simm.s32 $0x100;
	v3 =	vld [tilespmem:s20+$0x5020]  }
.LBB2_3:
0x25: {  	s22 =	sshra.s32 s21, $0x2;
	p0 =	sne.s32 s21, $0x7F00;
	v7 =	vld [tilespmem:s20+$0x5030];
	v8 =	vmov v1  }
0x26: {  	v9 =	vld [tilespmem:s22+$0x7000];
	v10 =	vmov v0  }
0x27: {  	v11 =	vld [tilespmem:s22+$0x7010];
	v2 =	vadd.f32 v5, v2  }
.Ltmp0:
0x28: {  	v1 =	vld [tilespmem:s22+$0x7020];
	v4 =	vadd.f32 v6, v4;
	(pc) =	sbr.rel @p0 .LBB2_3-.Ltmp0, $4  }
0x29: {  	v0 =	vld [tilespmem:s22+$0x7030];
	[tilespmem:s20+$0x5000] =	vst v2;
	v3 =	vadd.f32 v8, v3  }
0x2a: {  	v2 =	vld [tilespmem:s22+$0x5000];
	[tilespmem:s20+$0x5010] =	vst v4;
	v7 =	vadd.f32 v10, v7  }
0x2b: {  	v4 =	vld [tilespmem:s22+$0x5010];
	[tilespmem:s20+$0x5020] =	vst v3;
	v5 =	vmov v9  }
0x2c: {  	s21 =	sadd.s32 $0x100, s21;
	v3 =	vld [tilespmem:s22+$0x5020];
	[tilespmem:s20+$0x5030] =	vst v7;
	v6 =	vmov v11;
	s20 =	smov.u32 s22  }
0x2d: {  	v7 =	vld [tilespmem:s20+$0x5030];
	_ =	sdelay $0x1  }
0x2e: {  	v2 =	vadd.f32 v5, v2  }
0x2f: {  	v4 =	vadd.f32 v6, v4  }
0x30: {  	[tilespmem:s20+$0x5000] =	vst v2;
	v1 =	vadd.f32 v1, v3  }
0x31: {  	s19 =	sadd.s32 s3, s19;
	s18 =	sadd.s32 $0x1, s18;
	[tilespmem:s20+$0x5010] =	vst v4;
	v0 =	vadd.f32 v0, v7  }
0x32: {  	s19 =	sshll.u32 s19, $0x3;
	p0 =	sne.s32 s18, $0x50;
	[tilespmem:s20+$0x5020] =	vst v1  }
.Ltmp1:
0x33: {  	s19 =	sadd.s32 s6, s19;
	[tilespmem:s20+$0x5030] =	vst v0;
	(pc) =	sbr.rel @p0 .LBB2_2-.Ltmp1, $4  }
0x34: {  	[hbm4b:s19+s2] =	stream.linear.scatter [tilespmem:s13], [sflag:$0x3], $0x2000, $0x38;
	[tilespmem:$0x9000] =	vst v63  }
0x35: {  	_ =	swait.ge [sflag:s10], $0x2000  }
0x36: {  	[sflag:s10] =	ssyncset.done $0x0  }
0x37: {  	[sflag:s10] =	ssyncadd.s32 $0xFFFFE000  }
0x38: {  	s17 =	sadd.s32 $0x1, s17  }
0x39: {  	p0 =	sne.s32 s17, s9  }
.Ltmp2:
0x3a: {  	_ = 	snop;
	(pc) =	sbr.rel @p0 .LBB2_1-.Ltmp2, $1  }
0x3b: {  	_ =	sdelay $0x3  }
0x3c: {  	_ =	sfence.sel $0x180000  }
0x3d: {  	[bflag:$0x0] =	sbarrier.arrive $0xFFFF  }
0x3e: {  	p0 =	sne.s32 s1, $0x0;
	_ =	strace $0x90000050  }
0x3f: {  	s0 =	sadd.s32 @!p0 $0x100000, s0;
	[bflag:$0x2] =	sbarrier.arrive $0xFFFF  }
0x40: {  	[sflag:s0] =	ssyncadd.tile.s32 @!p0 $0x1;
	_ =	shalt  }
.Lfunc_end2:
_tile_overlayer_lowered:
.L_overlay_start_2:
0x41: {  	(tag) =	ssettag $0x2  }
0x42: {  	s0 =	rddreg [dreg:$0x0];
	s2 =	stileid.u32  }
0x43: {  	s1 =	rddreg [dreg:$0x1];
	p0 =	sne.s32 s2, $0x0  }
0x44: {  	s3 =	rddreg [dreg:$0x2];
	[bflag:$0x3] =	sbarrier.arrive $0xFFFF;
	s2 =	simm.s32 @!p0 $0x1C03  }
0x45: {  	[timem:s3], [sflag:s2] =	dma.local @!p0 [hbm:s0], s1  }
0x46: {  	s0 =	simm.s32 @!p0 $0x3  }
0x47: {  	_ =	swait.ge @!p0 [sflag:s0], s1  }
0x48: {  	s1 =	ssub.s32 @!p0 $0x0, s1;
	[sflag:s0] =	ssyncset.done @!p0 $0x0  }
0x49: {  	[sflag:s0] =	ssyncadd.s32 @!p0 s1  }
0x4a: {  	[bflag:$0x3] =	sbarrier.arrive $0xFFFF  }
0x4b: {  	_ =	shalt  }

</sc_bundles>
